<compile_context>
chip_gen: v7x
topology: tpu7x:2x2x1
jax: 0.10.2.dev20260603
libtpu: 0.0.44.dev20260713+nightly
codegen_flags: <defaults>
</compile_context>

<pallas_src>
import jax
import jax.numpy as jnp
from jax import lax
from jax.experimental import pallas as pl
from jax.experimental.pallas import tpu as pltpu
from jax.experimental.pallas import tpu_sc as plsc

B = 16
N = 1000
L = 8000
LANES = 16
UNROLL = 4
CHUNKS = L // (LANES * UNROLL)
NPAD = 1024
BOXPAD = 4096


def _body(pt_hbm, boxes_hbm, scores_hbm, classes_hbm, counts_hbm,
          cols_v, boxes_v, scores_v, classes_v, counts_v, sem):
    b = lax.axis_index("s")
    if True:
        cp = pltpu.async_copy(pt_hbm, cols_v, sem)

        zf = jnp.zeros((LANES,), jnp.float32)
        zi = jnp.zeros((LANES,), jnp.int32)

        def zero_boxes(i, carry):
            boxes_v[pl.ds(i * LANES, LANES)] = zf
            return carry

        lax.fori_loop(0, BOXPAD // LANES, zero_boxes, 0)

        def zero_sc(i, carry):
            scores_v[pl.ds(i * LANES, LANES)] = zf
            classes_v[pl.ds(i * LANES, LANES)] = zi
            return carry

        lax.fori_loop(0, NPAD // LANES, zero_sc, 0)
        cp.wait()

        bf = b.astype(jnp.float32)

        def step(i, off):
            base0 = i * (LANES * UNROLL)
            masks, incls = [], []
            for k in range(UNROLL):
                vb = cols_v[pl.ds(base0 + k * LANES, LANES)]
                masks.append(vb == bf)
            for k in range(UNROLL):
                incls.append(
                    jnp.cumsum(jnp.where(masks[k], 1, 0).astype(jnp.int32)))
            for k in range(UNROLL):
                base = base0 + k * LANES
                ranks = off + incls[k] - 1
                m2 = jnp.logical_and(masks[k], ranks < N)
                idx4 = ranks * 4
                for col in range(4):
                    x = cols_v[pl.ds((1 + col) * L + base, LANES)]
                    plsc.store_scatter(boxes_v, [idx4 + col], x, mask=m2)
                xs = cols_v[pl.ds(5 * L + base, LANES)]
                plsc.store_scatter(scores_v, [ranks], xs, mask=m2)
                xc = cols_v[pl.ds(6 * L + base, LANES)].astype(jnp.int32)
                plsc.store_scatter(classes_v, [ranks], xc, mask=m2)
                off = off + jnp.max(incls[k])
            return off

        off = lax.fori_loop(0, CHUNKS, step, jnp.zeros((LANES,), jnp.int32))
        for j in range(128 // LANES):
            counts_v[pl.ds(j * LANES, LANES)] = off

        pltpu.sync_copy(boxes_v, boxes_hbm.at[b])
        pltpu.sync_copy(scores_v, scores_hbm.at[b])
        pltpu.sync_copy(classes_v, classes_hbm.at[b])
        pltpu.sync_copy(counts_v, counts_hbm.at[b])


def kernel(predictions):
    pt = predictions.T.reshape(-1)
    mesh = plsc.VectorSubcoreMesh(
        core_axis_name="c", subcore_axis_name="s", num_cores=1)
    k = pl.kernel(
        _body,
        mesh=mesh,
        compiler_params=pltpu.CompilerParams(needs_layout_passes=False),
        out_type=[
            jax.ShapeDtypeStruct((B, BOXPAD), jnp.float32),
            jax.ShapeDtypeStruct((B, NPAD), jnp.float32),
            jax.ShapeDtypeStruct((B, NPAD), jnp.int32),
            jax.ShapeDtypeStruct((B, 128), jnp.int32),
        ],
        scratch_types=[
            pltpu.VMEM((7 * L,), jnp.float32),
            pltpu.VMEM((BOXPAD,), jnp.float32),
            pltpu.VMEM((NPAD,), jnp.float32),
            pltpu.VMEM((NPAD,), jnp.int32),
            pltpu.VMEM((128,), jnp.int32),
            pltpu.SemaphoreType.DMA,
        ],
    )
    boxes, scores, classes, counts = k(pt)
    num_predictions = counts[:, :1]
    pred_boxes = boxes[:, :4 * N].reshape(B, N, 4)
    return (num_predictions, pred_boxes, scores[:, :N], classes[:, :N])

# --- scband reference (transcript-rebuilt; emitter-appended) ---
"""Pipeline reference for scband-convert-flat-tensor-to-trtformat-40707700031785 (READ-ONLY COPY).

The authoritative reference and input builder live on the scoring server;
editing this copy changes nothing except your own understanding.
"""

import jax, jax.numpy as jnp
import numpy as np

B = 16
N = 1000
TOTAL = B * N
L = 8000


def setup_inputs(seed: int = 0) -> dict:
    key = jax.random.key(seed)
    predictions = jax.random.randint(key, (L, 7), 0, 16).astype(jnp.float32)
    return {"predictions": predictions}


def reference(predictions):
    # pad flat predictions up to B*N rows with -1 (invalid batch index)
    preds = jnp.pad(predictions, ((0, TOTAL - predictions.shape[0]), (0, 0)), mode='constant', constant_values=-1.0)
    b = preds[:, 0]
    bids = jnp.arange(B, dtype=preds.dtype)
    masks = bids[:, None] == b[None, :]  # [B, TOTAL]
    num_predictions = jnp.sum(masks, axis=1).astype(jnp.int32)[:, None]
    m = masks.astype(jnp.int32)
    # rank of each row within its batch (number of earlier rows with same batch idx)
    ranks = jnp.sum(m * (jnp.cumsum(m, axis=1) - 1), axis=0)
    valid = jnp.any(masks, axis=0)
    row_batch = jnp.sum(m * jnp.arange(B, dtype=jnp.int32)[:, None], axis=0)
    dest = jnp.where(valid & (ranks < N), row_batch * N + ranks, B * N)
    buf = jnp.zeros((B * N + 1, 6), dtype=preds.dtype).at[dest].set(preds[:, 1:])
    batched = buf[:B * N].reshape(B, N, 6)
    pred_boxes = batched[:, :, 0:4]
    pred_scores = batched[:, :, 4]
    pred_classes = batched[:, :, 5].astype(jnp.int32)
    return (num_predictions, pred_boxes, pred_scores, pred_classes)

if __name__ == "__main__":
    import jax
    _d = setup_inputs()
    print(jax.jit(kernel)(*tuple(_d.values())))

</pallas_src>

<mosaic_0001>
#map = affine_map<(d0, d1) -> (0)>
#map1 = affine_map<(d0, d1) -> (0, 0)>
module attributes {stable_mosaic.version = 14 : i64} {
  func.func @_body(%arg0: i32, %arg1: i32, %arg2: memref<56000xf32, #tpu.memory_space<hbm>>, %arg3: memref<16x4096xf32, #tpu.memory_space<hbm>>, %arg4: memref<16x1024xf32, #tpu.memory_space<hbm>>, %arg5: memref<16x1024xi32, #tpu.memory_space<hbm>>, %arg6: memref<16x128xi32, #tpu.memory_space<hbm>>, %arg7: memref<56000xf32, #tpu.memory_space<vmem>>, %arg8: memref<4096xf32, #tpu.memory_space<vmem>>, %arg9: memref<1024xf32, #tpu.memory_space<vmem>>, %arg10: memref<1024xi32, #tpu.memory_space<vmem>>, %arg11: memref<128xi32, #tpu.memory_space<vmem>>, %arg12: memref<!tpu.dma_semaphore, #tpu.memory_space<semaphore_mem>>) attributes {dimension_semantics = [#tpu.dimension_semantics<core_parallel>, #tpu.dimension_semantics<subcore_parallel>], iteration_bounds = array<i64: 1, 16>, scalar_prefetch = 0 : i64, scratch_operands = 6 : i64, tpu.core_type = #tpu.core_type<sc_vector_subcore>, window_params = [{transform_indices = #map}, {transform_indices = #map1}, {transform_indices = #map1}, {transform_indices = #map1}, {transform_indices = #map1}]} {
    tpu.enqueue_dma source(%arg2 : memref<56000xf32, #tpu.memory_space<hbm>>) target(%arg7 : memref<56000xf32, #tpu.memory_space<vmem>>) target_semaphore(%arg12 : memref<!tpu.dma_semaphore, #tpu.memory_space<semaphore_mem>>)
    %broadcast_in_dim3A = arith.constant 0.000000e+00 : f32
    %broadcast_in_dim3A_0 = vector.broadcast %broadcast_in_dim3A : f32 to vector<16xf32>
    %broadcast_in_dim3A_1 = arith.constant 0 : i32
    %broadcast_in_dim3A_2 = vector.broadcast %broadcast_in_dim3A_1 : i32 to vector<16xi32>
    %scan3A = arith.constant 0 : i32
    %scan3A_3 = arith.constant 0 : i32
    %scan3A_4 = arith.constant 256 : i32
    %scan3A_5 = arith.addi %scan3A_3, %scan3A_4 : i32
    %scan3A_6 = arith.constant 1 : i32
    scf.for %scan3A_37 = %scan3A_3 to %scan3A_5 step %scan3A_6  : i32 {
      %mul3A = arith.constant 16 : i32
      %mul3A_38 = arith.muli %scan3A_37, %mul3A : i32
      %swap3A_39 = arith.index_cast %mul3A_38 : i32 to index
      %swap3A_40 = tpu.vector_load %arg8[%swap3A_39] {strides = array<i32>} : memref<4096xf32, #tpu.memory_space<vmem>>, vector<16xf32>,
      tpu.vector_store %arg8[%swap3A_39], %broadcast_in_dim3A_0 {strides = array<i32>} : memref<4096xf32, #tpu.memory_space<vmem>>, vector<16xf32>,
    }
    %scan3A_7 = arith.constant 256 : i32
    %scan3A_8 = arith.constant 0 : i32
    %scan3A_9 = arith.constant 0 : i32
    %scan3A_10 = arith.constant 64 : i32
    %scan3A_11 = arith.addi %scan3A_9, %scan3A_10 : i32
    %scan3A_12 = arith.constant 1 : i32
    scf.for %scan3A_37 = %scan3A_9 to %scan3A_11 step %scan3A_12  : i32 {
      %mul3A = arith.constant 16 : i32
      %mul3A_38 = arith.muli %scan3A_37, %mul3A : i32
      %swap3A_39 = arith.index_cast %mul3A_38 : i32 to index
      %swap3A_40 = tpu.vector_load %arg9[%swap3A_39] {strides = array<i32>} : memref<1024xf32, #tpu.memory_space<vmem>>, vector<16xf32>,
      tpu.vector_store %arg9[%swap3A_39], %broadcast_in_dim3A_0 {strides = array<i32>} : memref<1024xf32, #tpu.memory_space<vmem>>, vector<16xf32>,
      %mul3A_41 = arith.constant 16 : i32
      %mul3A_42 = arith.muli %scan3A_37, %mul3A_41 : i32
      %swap3A_43 = arith.index_cast %mul3A_42 : i32 to index
      %swap3A_44 = tpu.vector_load %arg10[%swap3A_43] {strides = array<i32>} : memref<1024xi32, #tpu.memory_space<vmem>>, vector<16xi32>,
      tpu.vector_store %arg10[%swap3A_43], %broadcast_in_dim3A_2 {strides = array<i32>} : memref<1024xi32, #tpu.memory_space<vmem>>, vector<16xi32>,
    }
    %scan3A_13 = arith.constant 64 : i32
    tpu.wait_dma2 semaphore(%arg12 : memref<!tpu.dma_semaphore, #tpu.memory_space<semaphore_mem>>) src(%arg2 : memref<56000xf32, #tpu.memory_space<hbm>>) dst(%arg7 : memref<56000xf32, #tpu.memory_space<vmem>>)
    %convert_element_type3A = arith.sitofp %arg1 : i32 to f32
    %broadcast_in_dim3A_14 = arith.constant 0 : i32
    %broadcast_in_dim3A_15 = vector.broadcast %broadcast_in_dim3A_14 : i32 to vector<16xi32>
    %scan3A_16 = arith.constant 0 : i32
    %scan3A_17 = arith.constant 125 : i32
    %scan3A_18 = arith.addi %scan3A_16, %scan3A_17 : i32
    %scan3A_19 = arith.constant 1 : i32
    %scan3A_20 = scf.for %scan3A_37 = %scan3A_16 to %scan3A_18 step %scan3A_19 iter_args(%scan3A_38 = %broadcast_in_dim3A_15) -> (vector<16xi32>)  : i32 {
      %mul3A = arith.constant 64 : i32
      %mul3A_39 = arith.muli %scan3A_37, %mul3A : i32
      %add3A = arith.constant 0 : i32
      %add3A_40 = arith.addi %mul3A_39, %add3A : i32
      %get3A = arith.index_cast %add3A_40 : i32 to index
      %get3A_41 = tpu.vector_load %arg7[%get3A] {strides = array<i32>} : memref<56000xf32, #tpu.memory_space<vmem>>, vector<16xf32>,
      %eq3A = vector.broadcast %convert_element_type3A : f32 to vector<16xf32>
      %eq3A_42 = arith.cmpf oeq, %get3A_41, %eq3A : vector<16xf32>
      %add3A_43 = arith.constant 16 : i32
      %add3A_44 = arith.addi %mul3A_39, %add3A_43 : i32
      %get3A_45 = arith.index_cast %add3A_44 : i32 to index
      %get3A_46 = tpu.vector_load %arg7[%get3A_45] {strides = array<i32>} : memref<56000xf32, #tpu.memory_space<vmem>>, vector<16xf32>,
      %eq3A_47 = vector.broadcast %convert_element_type3A : f32 to vector<16xf32>
      %eq3A_48 = arith.cmpf oeq, %get3A_46, %eq3A_47 : vector<16xf32>
      %add3A_49 = arith.constant 32 : i32
      %add3A_50 = arith.addi %mul3A_39, %add3A_49 : i32
      %get3A_51 = arith.index_cast %add3A_50 : i32 to index
      %get3A_52 = tpu.vector_load %arg7[%get3A_51] {strides = array<i32>} : memref<56000xf32, #tpu.memory_space<vmem>>, vector<16xf32>,
      %eq3A_53 = vector.broadcast %convert_element_type3A : f32 to vector<16xf32>
      %eq3A_54 = arith.cmpf oeq, %get3A_52, %eq3A_53 : vector<16xf32>
      %add3A_55 = arith.constant 48 : i32
      %add3A_56 = arith.addi %mul3A_39, %add3A_55 : i32
      %get3A_57 = arith.index_cast %add3A_56 : i32 to index
      %get3A_58 = tpu.vector_load %arg7[%get3A_57] {strides = array<i32>} : memref<56000xf32, #tpu.memory_space<vmem>>, vector<16xf32>,
      %eq3A_59 = vector.broadcast %convert_element_type3A : f32 to vector<16xf32>
      %eq3A_60 = arith.cmpf oeq, %get3A_58, %eq3A_59 : vector<16xf32>
      %jit3A = arith.constant 1 : i32
      %jit3A_61 = arith.constant 0 : i32
      %broadcast_in_dim3A_62 = vector.broadcast %jit3A : i32 to vector<16xi32>
      %broadcast_in_dim3A_63 = vector.broadcast %jit3A_61 : i32 to vector<16xi32>
      %select_n3A = arith.select %eq3A_42, %broadcast_in_dim3A_62, %broadcast_in_dim3A_63 : vector<16xi1>, vector<16xi32>
      %cumsum3A = arith.constant true
      %cumsum3A_64 = vector.broadcast %cumsum3A : i1 to vector<16xi1>
      %cumsum3A_65 = tpu.scan <sum>, %select_n3A masked %cumsum3A_64 : vector<16xi32>, vector<16xi1> -> vector<16xi32>
      %jit3A_66 = arith.constant 1 : i32
      %jit3A_67 = arith.constant 0 : i32
      %broadcast_in_dim3A_68 = vector.broadcast %jit3A_66 : i32 to vector<16xi32>
      %broadcast_in_dim3A_69 = vector.broadcast %jit3A_67 : i32 to vector<16xi32>
      %select_n3A_70 = arith.select %eq3A_48, %broadcast_in_dim3A_68, %broadcast_in_dim3A_69 : vector<16xi1>, vector<16xi32>
      %cumsum3A_71 = arith.constant true
      %cumsum3A_72 = vector.broadcast %cumsum3A_71 : i1 to vector<16xi1>
      %cumsum3A_73 = tpu.scan <sum>, %select_n3A_70 masked %cumsum3A_72 : vector<16xi32>, vector<16xi1> -> vector<16xi32>
      %jit3A_74 = arith.constant 1 : i32
      %jit3A_75 = arith.constant 0 : i32
      %broadcast_in_dim3A_76 = vector.broadcast %jit3A_74 : i32 to vector<16xi32>
      %broadcast_in_dim3A_77 = vector.broadcast %jit3A_75 : i32 to vector<16xi32>
      %select_n3A_78 = arith.select %eq3A_54, %broadcast_in_dim3A_76, %broadcast_in_dim3A_77 : vector<16xi1>, vector<16xi32>
      %cumsum3A_79 = arith.constant true
      %cumsum3A_80 = vector.broadcast %cumsum3A_79 : i1 to vector<16xi1>
      %cumsum3A_81 = tpu.scan <sum>, %select_n3A_78 masked %cumsum3A_80 : vector<16xi32>, vector<16xi1> -> vector<16xi32>
      %jit3A_82 = arith.constant 1 : i32
      %jit3A_83 = arith.constant 0 : i32
      %broadcast_in_dim3A_84 = vector.broadcast %jit3A_82 : i32 to vector<16xi32>
      %broadcast_in_dim3A_85 = vector.broadcast %jit3A_83 : i32 to vector<16xi32>
      %select_n3A_86 = arith.select %eq3A_60, %broadcast_in_dim3A_84, %broadcast_in_dim3A_85 : vector<16xi1>, vector<16xi32>
      %cumsum3A_87 = arith.constant true
      %cumsum3A_88 = vector.broadcast %cumsum3A_87 : i1 to vector<16xi1>
      %cumsum3A_89 = tpu.scan <sum>, %select_n3A_86 masked %cumsum3A_88 : vector<16xi32>, vector<16xi1> -> vector<16xi32>
      %add3A_90 = arith.constant 0 : i32
      %add3A_91 = arith.addi %mul3A_39, %add3A_90 : i32
      %add3A_92 = arith.addi %scan3A_38, %cumsum3A_65 : vector<16xi32>
      %sub3A = arith.constant 1 : i32
      %sub3A_93 = vector.broadcast %sub3A : i32 to vector<16xi32>
      %sub3A_94 = arith.subi %add3A_92, %sub3A_93 : vector<16xi32>
      %lt3A = arith.constant 1000 : i32
      %lt3A_95 = vector.broadcast %lt3A : i32 to vector<16xi32>
      %lt3A_96 = arith.cmpi slt, %sub3A_94, %lt3A_95 : vector<16xi32>
      %and3A = arith.andi %eq3A_42, %lt3A_96 : vector<16xi1>
      %mul3A_97 = arith.constant 4 : i32
      %mul3A_98 = vector.broadcast %mul3A_97 : i32 to vector<16xi32>
      %mul3A_99 = arith.muli %sub3A_94, %mul3A_98 : vector<16xi32>
      %add3A_100 = arith.constant 8000 : i32
      %add3A_101 = arith.addi %add3A_100, %add3A_91 : i32
      %get3A_102 = arith.index_cast %add3A_101 : i32 to index
      %get3A_103 = tpu.vector_load %arg7[%get3A_102] {strides = array<i32>} : memref<56000xf32, #tpu.memory_space<vmem>>, vector<16xf32>,
      %add3A_104 = arith.constant 0 : i32
      %add3A_105 = vector.broadcast %add3A_104 : i32 to vector<16xi32>
      %add3A_106 = arith.addi %mul3A_99, %add3A_105 : vector<16xi32>
      tpu.vector_store_idx %arg8[%add3A_106], %get3A_103 masked %and3A : memref<4096xf32, #tpu.memory_space<vmem>>[vector<16xi32>], vector<16xf32>, vector<16xi1>
      %add3A_107 = arith.constant 16000 : i32
      %add3A_108 = arith.addi %add3A_107, %add3A_91 : i32
      %get3A_109 = arith.index_cast %add3A_108 : i32 to index
      %get3A_110 = tpu.vector_load %arg7[%get3A_109] {strides = array<i32>} : memref<56000xf32, #tpu.memory_space<vmem>>, vector<16xf32>,
      %add3A_111 = arith.constant 1 : i32
      %add3A_112 = vector.broadcast %add3A_111 : i32 to vector<16xi32>
      %add3A_113 = arith.addi %mul3A_99, %add3A_112 : vector<16xi32>
      tpu.vector_store_idx %arg8[%add3A_113], %get3A_110 masked %and3A : memref<4096xf32, #tpu.memory_space<vmem>>[vector<16xi32>], vector<16xf32>, vector<16xi1>
      %add3A_114 = arith.constant 24000 : i32
      %add3A_115 = arith.addi %add3A_114, %add3A_91 : i32
      %get3A_116 = arith.index_cast %add3A_115 : i32 to index
      %get3A_117 = tpu.vector_load %arg7[%get3A_116] {strides = array<i32>} : memref<56000xf32, #tpu.memory_space<vmem>>, vector<16xf32>,
      %add3A_118 = arith.constant 2 : i32
      %add3A_119 = vector.broadcast %add3A_118 : i32 to vector<16xi32>
      %add3A_120 = arith.addi %mul3A_99, %add3A_119 : vector<16xi32>
      tpu.vector_store_idx %arg8[%add3A_120], %get3A_117 masked %and3A : memref<4096xf32, #tpu.memory_space<vmem>>[vector<16xi32>], vector<16xf32>, vector<16xi1>
      %add3A_121 = arith.constant 32000 : i32
      %add3A_122 = arith.addi %add3A_121, %add3A_91 : i32
      %get3A_123 = arith.index_cast %add3A_122 : i32 to index
      %get3A_124 = tpu.vector_load %arg7[%get3A_123] {strides = array<i32>} : memref<56000xf32, #tpu.memory_space<vmem>>, vector<16xf32>,
      %add3A_125 = arith.constant 3 : i32
      %add3A_126 = vector.broadcast %add3A_125 : i32 to vector<16xi32>
      %add3A_127 = arith.addi %mul3A_99, %add3A_126 : vector<16xi32>
      tpu.vector_store_idx %arg8[%add3A_127], %get3A_124 masked %and3A : memref<4096xf32, #tpu.memory_space<vmem>>[vector<16xi32>], vector<16xf32>, vector<16xi1>
      %add3A_128 = arith.constant 40000 : i32
      %add3A_129 = arith.addi %add3A_128, %add3A_91 : i32
      %get3A_130 = arith.index_cast %add3A_129 : i32 to index
      %get3A_131 = tpu.vector_load %arg7[%get3A_130] {strides = array<i32>} : memref<56000xf32, #tpu.memory_space<vmem>>, vector<16xf32>,
      tpu.vector_store_idx %arg9[%sub3A_94], %get3A_131 masked %and3A : memref<1024xf32, #tpu.memory_space<vmem>>[vector<16xi32>], vector<16xf32>, vector<16xi1>
      %add3A_132 = arith.constant 48000 : i32
      %add3A_133 = arith.addi %add3A_132, %add3A_91 : i32
      %get3A_134 = arith.index_cast %add3A_133 : i32 to index
      %get3A_135 = tpu.vector_load %arg7[%get3A_134] {strides = array<i32>} : memref<56000xf32, #tpu.memory_space<vmem>>, vector<16xf32>,
      %convert_element_type3A_136 = arith.fptosi %get3A_135 : vector<16xf32> to vector<16xi32>
      tpu.vector_store_idx %arg10[%sub3A_94], %convert_element_type3A_136 masked %and3A : memref<1024xi32, #tpu.memory_space<vmem>>[vector<16xi32>], vector<16xi32>, vector<16xi1>
      %reduce_max3A = arith.constant true
      %reduce_max3A_137 = vector.broadcast %reduce_max3A : i1 to vector<16xi1>
      %reduce_max3A_138 = arith.constant -2147483648 : i32
      %reduce_max3A_139 = vector.broadcast %reduce_max3A_138 : i32 to vector<16xi32>
      %reduce_max3A_140 = arith.xori %cumsum3A_65, %reduce_max3A_139 : vector<16xi32>
      %reduce_max3A_141 = tpu.scan <max>, %reduce_max3A_140 masked %reduce_max3A_137 : vector<16xi32>, vector<16xi1> -> vector<16xi32>
      %reduce_max3A_142 = arith.xori %reduce_max3A_141, %reduce_max3A_139 : vector<16xi32>
      %reduce_max3A_143 = vector.extract %reduce_max3A_142[15] : i32 from vector<16xi32>
      %add3A_144 = vector.broadcast %reduce_max3A_143 : i32 to vector<16xi32>
      %add3A_145 = arith.addi %scan3A_38, %add3A_144 : vector<16xi32>
      %add3A_146 = arith.constant 16 : i32
      %add3A_147 = arith.addi %mul3A_39, %add3A_146 : i32
      %add3A_148 = arith.addi %add3A_145, %cumsum3A_73 : vector<16xi32>
      %sub3A_149 = arith.constant 1 : i32
      %sub3A_150 = vector.broadcast %sub3A_149 : i32 to vector<16xi32>
      %sub3A_151 = arith.subi %add3A_148, %sub3A_150 : vector<16xi32>
      %lt3A_152 = arith.constant 1000 : i32
      %lt3A_153 = vector.broadcast %lt3A_152 : i32 to vector<16xi32>
      %lt3A_154 = arith.cmpi slt, %sub3A_151, %lt3A_153 : vector<16xi32>
      %and3A_155 = arith.andi %eq3A_48, %lt3A_154 : vector<16xi1>
      %mul3A_156 = arith.constant 4 : i32
      %mul3A_157 = vector.broadcast %mul3A_156 : i32 to vector<16xi32>
      %mul3A_158 = arith.muli %sub3A_151, %mul3A_157 : vector<16xi32>
      %add3A_159 = arith.constant 8000 : i32
      %add3A_160 = arith.addi %add3A_159, %add3A_147 : i32
      %get3A_161 = arith.index_cast %add3A_160 : i32 to index
      %get3A_162 = tpu.vector_load %arg7[%get3A_161] {strides = array<i32>} : memref<56000xf32, #tpu.memory_space<vmem>>, vector<16xf32>,
      %add3A_163 = arith.constant 0 : i32
      %add3A_164 = vector.broadcast %add3A_163 : i32 to vector<16xi32>
      %add3A_165 = arith.addi %mul3A_158, %add3A_164 : vector<16xi32>
      tpu.vector_store_idx %arg8[%add3A_165], %get3A_162 masked %and3A_155 : memref<4096xf32, #tpu.memory_space<vmem>>[vector<16xi32>], vector<16xf32>, vector<16xi1>
      %add3A_166 = arith.constant 16000 : i32
      %add3A_167 = arith.addi %add3A_166, %add3A_147 : i32
      %get3A_168 = arith.index_cast %add3A_167 : i32 to index
      %get3A_169 = tpu.vector_load %arg7[%get3A_168] {strides = array<i32>} : memref<56000xf32, #tpu.memory_space<vmem>>, vector<16xf32>,
      %add3A_170 = arith.constant 1 : i32
      %add3A_171 = vector.broadcast %add3A_170 : i32 to vector<16xi32>
      %add3A_172 = arith.addi %mul3A_158, %add3A_171 : vector<16xi32>
      tpu.vector_store_idx %arg8[%add3A_172], %get3A_169 masked %and3A_155 : memref<4096xf32, #tpu.memory_space<vmem>>[vector<16xi32>], vector<16xf32>, vector<16xi1>
      %add3A_173 = arith.constant 24000 : i32
      %add3A_174 = arith.addi %add3A_173, %add3A_147 : i32
      %get3A_175 = arith.index_cast %add3A_174 : i32 to index
      %get3A_176 = tpu.vector_load %arg7[%get3A_175] {strides = array<i32>} : memref<56000xf32, #tpu.memory_space<vmem>>, vector<16xf32>,
      %add3A_177 = arith.constant 2 : i32
      %add3A_178 = vector.broadcast %add3A_177 : i32 to vector<16xi32>
      %add3A_179 = arith.addi %mul3A_158, %add3A_178 : vector<16xi32>
      tpu.vector_store_idx %arg8[%add3A_179], %get3A_176 masked %and3A_155 : memref<4096xf32, #tpu.memory_space<vmem>>[vector<16xi32>], vector<16xf32>, vector<16xi1>
      %add3A_180 = arith.constant 32000 : i32
      %add3A_181 = arith.addi %add3A_180, %add3A_147 : i32
      %get3A_182 = arith.index_cast %add3A_181 : i32 to index
      %get3A_183 = tpu.vector_load %arg7[%get3A_182] {strides = array<i32>} : memref<56000xf32, #tpu.memory_space<vmem>>, vector<16xf32>,
      %add3A_184 = arith.constant 3 : i32
      %add3A_185 = vector.broadcast %add3A_184 : i32 to vector<16xi32>
      %add3A_186 = arith.addi %mul3A_158, %add3A_185 : vector<16xi32>
      tpu.vector_store_idx %arg8[%add3A_186], %get3A_183 masked %and3A_155 : memref<4096xf32, #tpu.memory_space<vmem>>[vector<16xi32>], vector<16xf32>, vector<16xi1>
      %add3A_187 = arith.constant 40000 : i32
      %add3A_188 = arith.addi %add3A_187, %add3A_147 : i32
      %get3A_189 = arith.index_cast %add3A_188 : i32 to index
      %get3A_190 = tpu.vector_load %arg7[%get3A_189] {strides = array<i32>} : memref<56000xf32, #tpu.memory_space<vmem>>, vector<16xf32>,
      tpu.vector_store_idx %arg9[%sub3A_151], %get3A_190 masked %and3A_155 : memref<1024xf32, #tpu.memory_space<vmem>>[vector<16xi32>], vector<16xf32>, vector<16xi1>
      %add3A_191 = arith.constant 48000 : i32
      %add3A_192 = arith.addi %add3A_191, %add3A_147 : i32
      %get3A_193 = arith.index_cast %add3A_192 : i32 to index
      %get3A_194 = tpu.vector_load %arg7[%get3A_193] {strides = array<i32>} : memref<56000xf32, #tpu.memory_space<vmem>>, vector<16xf32>,
      %convert_element_type3A_195 = arith.fptosi %get3A_194 : vector<16xf32> to vector<16xi32>
      tpu.vector_store_idx %arg10[%sub3A_151], %convert_element_type3A_195 masked %and3A_155 : memref<1024xi32, #tpu.memory_space<vmem>>[vector<16xi32>], vector<16xi32>, vector<16xi1>
      %reduce_max3A_196 = arith.constant true
      %reduce_max3A_197 = vector.broadcast %reduce_max3A_196 : i1 to vector<16xi1>
      %reduce_max3A_198 = arith.constant -2147483648 : i32
      %reduce_max3A_199 = vector.broadcast %reduce_max3A_198 : i32 to vector<16xi32>
      %reduce_max3A_200 = arith.xori %cumsum3A_73, %reduce_max3A_199 : vector<16xi32>
      %reduce_max3A_201 = tpu.scan <max>, %reduce_max3A_200 masked %reduce_max3A_197 : vector<16xi32>, vector<16xi1> -> vector<16xi32>
      %reduce_max3A_202 = arith.xori %reduce_max3A_201, %reduce_max3A_199 : vector<16xi32>
      %reduce_max3A_203 = vector.extract %reduce_max3A_202[15] : i32 from vector<16xi32>
      %add3A_204 = vector.broadcast %reduce_max3A_203 : i32 to vector<16xi32>
      %add3A_205 = arith.addi %add3A_145, %add3A_204 : vector<16xi32>
      %add3A_206 = arith.constant 32 : i32
      %add3A_207 = arith.addi %mul3A_39, %add3A_206 : i32
      %add3A_208 = arith.addi %add3A_205, %cumsum3A_81 : vector<16xi32>
      %sub3A_209 = arith.constant 1 : i32
      %sub3A_210 = vector.broadcast %sub3A_209 : i32 to vector<16xi32>
      %sub3A_211 = arith.subi %add3A_208, %sub3A_210 : vector<16xi32>
      %lt3A_212 = arith.constant 1000 : i32
      %lt3A_213 = vector.broadcast %lt3A_212 : i32 to vector<16xi32>
      %lt3A_214 = arith.cmpi slt, %sub3A_211, %lt3A_213 : vector<16xi32>
      %and3A_215 = arith.andi %eq3A_54, %lt3A_214 : vector<16xi1>
      %mul3A_216 = arith.constant 4 : i32
      %mul3A_217 = vector.broadcast %mul3A_216 : i32 to vector<16xi32>
      %mul3A_218 = arith.muli %sub3A_211, %mul3A_217 : vector<16xi32>
      %add3A_219 = arith.constant 8000 : i32
      %add3A_220 = arith.addi %add3A_219, %add3A_207 : i32
      %get3A_221 = arith.index_cast %add3A_220 : i32 to index
      %get3A_222 = tpu.vector_load %arg7[%get3A_221] {strides = array<i32>} : memref<56000xf32, #tpu.memory_space<vmem>>, vector<16xf32>,
      %add3A_223 = arith.constant 0 : i32
      %add3A_224 = vector.broadcast %add3A_223 : i32 to vector<16xi32>
      %add3A_225 = arith.addi %mul3A_218, %add3A_224 : vector<16xi32>
      tpu.vector_store_idx %arg8[%add3A_225], %get3A_222 masked %and3A_215 : memref<4096xf32, #tpu.memory_space<vmem>>[vector<16xi32>], vector<16xf32>, vector<16xi1>
      %add3A_226 = arith.constant 16000 : i32
      %add3A_227 = arith.addi %add3A_226, %add3A_207 : i32
      %get3A_228 = arith.index_cast %add3A_227 : i32 to index
      %get3A_229 = tpu.vector_load %arg7[%get3A_228] {strides = array<i32>} : memref<56000xf32, #tpu.memory_space<vmem>>, vector<16xf32>,
      %add3A_230 = arith.constant 1 : i32
      %add3A_231 = vector.broadcast %add3A_230 : i32 to vector<16xi32>
      %add3A_232 = arith.addi %mul3A_218, %add3A_231 : vector<16xi32>
      tpu.vector_store_idx %arg8[%add3A_232], %get3A_229 masked %and3A_215 : memref<4096xf32, #tpu.memory_space<vmem>>[vector<16xi32>], vector<16xf32>, vector<16xi1>
      %add3A_233 = arith.constant 24000 : i32
      %add3A_234 = arith.addi %add3A_233, %add3A_207 : i32
      %get3A_235 = arith.index_cast %add3A_234 : i32 to index
      %get3A_236 = tpu.vector_load %arg7[%get3A_235] {strides = array<i32>} : memref<56000xf32, #tpu.memory_space<vmem>>, vector<16xf32>,
      %add3A_237 = arith.constant 2 : i32
      %add3A_238 = vector.broadcast %add3A_237 : i32 to vector<16xi32>
      %add3A_239 = arith.addi %mul3A_218, %add3A_238 : vector<16xi32>
      tpu.vector_store_idx %arg8[%add3A_239], %get3A_236 masked %and3A_215 : memref<4096xf32, #tpu.memory_space<vmem>>[vector<16xi32>], vector<16xf32>, vector<16xi1>
      %add3A_240 = arith.constant 32000 : i32
      %add3A_241 = arith.addi %add3A_240, %add3A_207 : i32
      %get3A_242 = arith.index_cast %add3A_241 : i32 to index
      %get3A_243 = tpu.vector_load %arg7[%get3A_242] {strides = array<i32>} : memref<56000xf32, #tpu.memory_space<vmem>>, vector<16xf32>,
      %add3A_244 = arith.constant 3 : i32
      %add3A_245 = vector.broadcast %add3A_244 : i32 to vector<16xi32>
      %add3A_246 = arith.addi %mul3A_218, %add3A_245 : vector<16xi32>
      tpu.vector_store_idx %arg8[%add3A_246], %get3A_243 masked %and3A_215 : memref<4096xf32, #tpu.memory_space<vmem>>[vector<16xi32>], vector<16xf32>, vector<16xi1>
      %add3A_247 = arith.constant 40000 : i32
      %add3A_248 = arith.addi %add3A_247, %add3A_207 : i32
      %get3A_249 = arith.index_cast %add3A_248 : i32 to index
      %get3A_250 = tpu.vector_load %arg7[%get3A_249] {strides = array<i32>} : memref<56000xf32, #tpu.memory_space<vmem>>, vector<16xf32>,
      tpu.vector_store_idx %arg9[%sub3A_211], %get3A_250 masked %and3A_215 : memref<1024xf32, #tpu.memory_space<vmem>>[vector<16xi32>], vector<16xf32>, vector<16xi1>
      %add3A_251 = arith.constant 48000 : i32
      %add3A_252 = arith.addi %add3A_251, %add3A_207 : i32
      %get3A_253 = arith.index_cast %add3A_252 : i32 to index
      %get3A_254 = tpu.vector_load %arg7[%get3A_253] {strides = array<i32>} : memref<56000xf32, #tpu.memory_space<vmem>>, vector<16xf32>,
      %convert_element_type3A_255 = arith.fptosi %get3A_254 : vector<16xf32> to vector<16xi32>
      tpu.vector_store_idx %arg10[%sub3A_211], %convert_element_type3A_255 masked %and3A_215 : memref<1024xi32, #tpu.memory_space<vmem>>[vector<16xi32>], vector<16xi32>, vector<16xi1>
      %reduce_max3A_256 = arith.constant true
      %reduce_max3A_257 = vector.broadcast %reduce_max3A_256 : i1 to vector<16xi1>
      %reduce_max3A_258 = arith.constant -2147483648 : i32
      %reduce_max3A_259 = vector.broadcast %reduce_max3A_258 : i32 to vector<16xi32>
      %reduce_max3A_260 = arith.xori %cumsum3A_81, %reduce_max3A_259 : vector<16xi32>
      %reduce_max3A_261 = tpu.scan <max>, %reduce_max3A_260 masked %reduce_max3A_257 : vector<16xi32>, vector<16xi1> -> vector<16xi32>
      %reduce_max3A_262 = arith.xori %reduce_max3A_261, %reduce_max3A_259 : vector<16xi32>
      %reduce_max3A_263 = vector.extract %reduce_max3A_262[15] : i32 from vector<16xi32>
      %add3A_264 = vector.broadcast %reduce_max3A_263 : i32 to vector<16xi32>
      %add3A_265 = arith.addi %add3A_205, %add3A_264 : vector<16xi32>
      %add3A_266 = arith.constant 48 : i32
      %add3A_267 = arith.addi %mul3A_39, %add3A_266 : i32
      %add3A_268 = arith.addi %add3A_265, %cumsum3A_89 : vector<16xi32>
      %sub3A_269 = arith.constant 1 : i32
      %sub3A_270 = vector.broadcast %sub3A_269 : i32 to vector<16xi32>
      %sub3A_271 = arith.subi %add3A_268, %sub3A_270 : vector<16xi32>
      %lt3A_272 = arith.constant 1000 : i32
      %lt3A_273 = vector.broadcast %lt3A_272 : i32 to vector<16xi32>
      %lt3A_274 = arith.cmpi slt, %sub3A_271, %lt3A_273 : vector<16xi32>
      %and3A_275 = arith.andi %eq3A_60, %lt3A_274 : vector<16xi1>
      %mul3A_276 = arith.constant 4 : i32
      %mul3A_277 = vector.broadcast %mul3A_276 : i32 to vector<16xi32>
      %mul3A_278 = arith.muli %sub3A_271, %mul3A_277 : vector<16xi32>
      %add3A_279 = arith.constant 8000 : i32
      %add3A_280 = arith.addi %add3A_279, %add3A_267 : i32
      %get3A_281 = arith.index_cast %add3A_280 : i32 to index
      %get3A_282 = tpu.vector_load %arg7[%get3A_281] {strides = array<i32>} : memref<56000xf32, #tpu.memory_space<vmem>>, vector<16xf32>,
      %add3A_283 = arith.constant 0 : i32
      %add3A_284 = vector.broadcast %add3A_283 : i32 to vector<16xi32>
      %add3A_285 = arith.addi %mul3A_278, %add3A_284 : vector<16xi32>
      tpu.vector_store_idx %arg8[%add3A_285], %get3A_282 masked %and3A_275 : memref<4096xf32, #tpu.memory_space<vmem>>[vector<16xi32>], vector<16xf32>, vector<16xi1>
      %add3A_286 = arith.constant 16000 : i32
      %add3A_287 = arith.addi %add3A_286, %add3A_267 : i32
      %get3A_288 = arith.index_cast %add3A_287 : i32 to index
      %get3A_289 = tpu.vector_load %arg7[%get3A_288] {strides = array<i32>} : memref<56000xf32, #tpu.memory_space<vmem>>, vector<16xf32>,
      %add3A_290 = arith.constant 1 : i32
      %add3A_291 = vector.broadcast %add3A_290 : i32 to vector<16xi32>
      %add3A_292 = arith.addi %mul3A_278, %add3A_291 : vector<16xi32>
      tpu.vector_store_idx %arg8[%add3A_292], %get3A_289 masked %and3A_275 : memref<4096xf32, #tpu.memory_space<vmem>>[vector<16xi32>], vector<16xf32>, vector<16xi1>
      %add3A_293 = arith.constant 24000 : i32
      %add3A_294 = arith.addi %add3A_293, %add3A_267 : i32
      %get3A_295 = arith.index_cast %add3A_294 : i32 to index
      %get3A_296 = tpu.vector_load %arg7[%get3A_295] {strides = array<i32>} : memref<56000xf32, #tpu.memory_space<vmem>>, vector<16xf32>,
      %add3A_297 = arith.constant 2 : i32
      %add3A_298 = vector.broadcast %add3A_297 : i32 to vector<16xi32>
      %add3A_299 = arith.addi %mul3A_278, %add3A_298 : vector<16xi32>
      tpu.vector_store_idx %arg8[%add3A_299], %get3A_296 masked %and3A_275 : memref<4096xf32, #tpu.memory_space<vmem>>[vector<16xi32>], vector<16xf32>, vector<16xi1>
      %add3A_300 = arith.constant 32000 : i32
      %add3A_301 = arith.addi %add3A_300, %add3A_267 : i32
      %get3A_302 = arith.index_cast %add3A_301 : i32 to index
      %get3A_303 = tpu.vector_load %arg7[%get3A_302] {strides = array<i32>} : memref<56000xf32, #tpu.memory_space<vmem>>, vector<16xf32>,
      %add3A_304 = arith.constant 3 : i32
      %add3A_305 = vector.broadcast %add3A_304 : i32 to vector<16xi32>
      %add3A_306 = arith.addi %mul3A_278, %add3A_305 : vector<16xi32>
      tpu.vector_store_idx %arg8[%add3A_306], %get3A_303 masked %and3A_275 : memref<4096xf32, #tpu.memory_space<vmem>>[vector<16xi32>], vector<16xf32>, vector<16xi1>
      %add3A_307 = arith.constant 40000 : i32
      %add3A_308 = arith.addi %add3A_307, %add3A_267 : i32
      %get3A_309 = arith.index_cast %add3A_308 : i32 to index
      %get3A_310 = tpu.vector_load %arg7[%get3A_309] {strides = array<i32>} : memref<56000xf32, #tpu.memory_space<vmem>>, vector<16xf32>,
      tpu.vector_store_idx %arg9[%sub3A_271], %get3A_310 masked %and3A_275 : memref<1024xf32, #tpu.memory_space<vmem>>[vector<16xi32>], vector<16xf32>, vector<16xi1>
      %add3A_311 = arith.constant 48000 : i32
      %add3A_312 = arith.addi %add3A_311, %add3A_267 : i32
      %get3A_313 = arith.index_cast %add3A_312 : i32 to index
      %get3A_314 = tpu.vector_load %arg7[%get3A_313] {strides = array<i32>} : memref<56000xf32, #tpu.memory_space<vmem>>, vector<16xf32>,
      %convert_element_type3A_315 = arith.fptosi %get3A_314 : vector<16xf32> to vector<16xi32>
      tpu.vector_store_idx %arg10[%sub3A_271], %convert_element_type3A_315 masked %and3A_275 : memref<1024xi32, #tpu.memory_space<vmem>>[vector<16xi32>], vector<16xi32>, vector<16xi1>
      %reduce_max3A_316 = arith.constant true
      %reduce_max3A_317 = vector.broadcast %reduce_max3A_316 : i1 to vector<16xi1>
      %reduce_max3A_318 = arith.constant -2147483648 : i32
      %reduce_max3A_319 = vector.broadcast %reduce_max3A_318 : i32 to vector<16xi32>
      %reduce_max3A_320 = arith.xori %cumsum3A_89, %reduce_max3A_319 : vector<16xi32>
      %reduce_max3A_321 = tpu.scan <max>, %reduce_max3A_320 masked %reduce_max3A_317 : vector<16xi32>, vector<16xi1> -> vector<16xi32>
      %reduce_max3A_322 = arith.xori %reduce_max3A_321, %reduce_max3A_319 : vector<16xi32>
      %reduce_max3A_323 = vector.extract %reduce_max3A_322[15] : i32 from vector<16xi32>
      %add3A_324 = vector.broadcast %reduce_max3A_323 : i32 to vector<16xi32>
      %add3A_325 = arith.addi %add3A_265, %add3A_324 : vector<16xi32>
      scf.yield %add3A_325 : vector<16xi32>
    }
    %scan3A_21 = arith.constant 125 : i32
    %swap3A = arith.constant 0 : index
    %swap3A_22 = tpu.vector_load %arg11[%swap3A] {strides = array<i32>} : memref<128xi32, #tpu.memory_space<vmem>>, vector<16xi32>,
    tpu.vector_store %arg11[%swap3A], %scan3A_20 {strides = array<i32>} : memref<128xi32, #tpu.memory_space<vmem>>, vector<16xi32>,
    %swap3A_23 = arith.constant 16 : index
    %swap3A_24 = tpu.vector_load %arg11[%swap3A_23] {strides = array<i32>} : memref<128xi32, #tpu.memory_space<vmem>>, vector<16xi32>,
    tpu.vector_store %arg11[%swap3A_23], %scan3A_20 {strides = array<i32>} : memref<128xi32, #tpu.memory_space<vmem>>, vector<16xi32>,
    %swap3A_25 = arith.constant 32 : index
    %swap3A_26 = tpu.vector_load %arg11[%swap3A_25] {strides = array<i32>} : memref<128xi32, #tpu.memory_space<vmem>>, vector<16xi32>,
    tpu.vector_store %arg11[%swap3A_25], %scan3A_20 {strides = array<i32>} : memref<128xi32, #tpu.memory_space<vmem>>, vector<16xi32>,
    %swap3A_27 = arith.constant 48 : index
    %swap3A_28 = tpu.vector_load %arg11[%swap3A_27] {strides = array<i32>} : memref<128xi32, #tpu.memory_space<vmem>>, vector<16xi32>,
    tpu.vector_store %arg11[%swap3A_27], %scan3A_20 {strides = array<i32>} : memref<128xi32, #tpu.memory_space<vmem>>, vector<16xi32>,
    %swap3A_29 = arith.constant 64 : index
    %swap3A_30 = tpu.vector_load %arg11[%swap3A_29] {strides = array<i32>} : memref<128xi32, #tpu.memory_space<vmem>>, vector<16xi32>,
    tpu.vector_store %arg11[%swap3A_29], %scan3A_20 {strides = array<i32>} : memref<128xi32, #tpu.memory_space<vmem>>, vector<16xi32>,
    %swap3A_31 = arith.constant 80 : index
    %swap3A_32 = tpu.vector_load %arg11[%swap3A_31] {strides = array<i32>} : memref<128xi32, #tpu.memory_space<vmem>>, vector<16xi32>,
    tpu.vector_store %arg11[%swap3A_31], %scan3A_20 {strides = array<i32>} : memref<128xi32, #tpu.memory_space<vmem>>, vector<16xi32>,
    %swap3A_33 = arith.constant 96 : index
    %swap3A_34 = tpu.vector_load %arg11[%swap3A_33] {strides = array<i32>} : memref<128xi32, #tpu.memory_space<vmem>>, vector<16xi32>,
    tpu.vector_store %arg11[%swap3A_33], %scan3A_20 {strides = array<i32>} : memref<128xi32, #tpu.memory_space<vmem>>, vector<16xi32>,
    %swap3A_35 = arith.constant 112 : index
    %swap3A_36 = tpu.vector_load %arg11[%swap3A_35] {strides = array<i32>} : memref<128xi32, #tpu.memory_space<vmem>>, vector<16xi32>,
    tpu.vector_store %arg11[%swap3A_35], %scan3A_20 {strides = array<i32>} : memref<128xi32, #tpu.memory_space<vmem>>, vector<16xi32>,
    "tpu.region"() ({
      %run_scoped3A = tpu.sem_alloc : memref<!tpu.dma_semaphore, #tpu.memory_space<semaphore_mem>>
      %dma_start3A = arith.constant 0 : i32
      %dma_start3A_37 = tpu.memref_slice %arg3[%arg1, %dma_start3A] : memref<16x4096xf32, #tpu.memory_space<hbm>> -> memref<1x4096xf32, #tpu.memory_space<hbm>>
      %dma_start3A_38 = tpu.memref_squeeze %dma_start3A_37 : memref<1x4096xf32, #tpu.memory_space<hbm>> -> memref<4096xf32, #tpu.memory_space<hbm>>
      %dma_start3A_39 = arith.constant 0 : i32
      %dma_start3A_40 = tpu.memref_slice %arg3[%arg1, %dma_start3A_39] : memref<16x4096xf32, #tpu.memory_space<hbm>> -> memref<1x4096xf32, #tpu.memory_space<hbm>>
      %dma_start3A_41 = tpu.memref_squeeze %dma_start3A_40 : memref<1x4096xf32, #tpu.memory_space<hbm>> -> memref<4096xf32, #tpu.memory_space<hbm>>
      tpu.enqueue_dma source(%arg8 : memref<4096xf32, #tpu.memory_space<vmem>>) target(%dma_start3A_41 : memref<4096xf32, #tpu.memory_space<hbm>>) target_semaphore(%run_scoped3A : memref<!tpu.dma_semaphore, #tpu.memory_space<semaphore_mem>>)
      %dma_wait3A = arith.constant 0 : i32
      %dma_wait3A_42 = tpu.memref_slice %arg3[%arg1, %dma_wait3A] : memref<16x4096xf32, #tpu.memory_space<hbm>> -> memref<1x4096xf32, #tpu.memory_space<hbm>>
      %dma_wait3A_43 = tpu.memref_squeeze %dma_wait3A_42 : memref<1x4096xf32, #tpu.memory_space<hbm>> -> memref<4096xf32, #tpu.memory_space<hbm>>
      %dma_wait3A_44 = arith.constant 0 : i32
      %dma_wait3A_45 = tpu.memref_slice %arg3[%arg1, %dma_wait3A_44] : memref<16x4096xf32, #tpu.memory_space<hbm>> -> memref<1x4096xf32, #tpu.memory_space<hbm>>
      %dma_wait3A_46 = tpu.memref_squeeze %dma_wait3A_45 : memref<1x4096xf32, #tpu.memory_space<hbm>> -> memref<4096xf32, #tpu.memory_space<hbm>>
      tpu.wait_dma2 semaphore(%run_scoped3A : memref<!tpu.dma_semaphore, #tpu.memory_space<semaphore_mem>>) src(%arg8 : memref<4096xf32, #tpu.memory_space<vmem>>) dst(%dma_wait3A_46 : memref<4096xf32, #tpu.memory_space<hbm>>)
      tpu.yield
    }) : () -> ()
    "tpu.region"() ({
      %run_scoped3A = tpu.sem_alloc : memref<!tpu.dma_semaphore, #tpu.memory_space<semaphore_mem>>
      %dma_start3A = arith.constant 0 : i32
      %dma_start3A_37 = tpu.memref_slice %arg4[%arg1, %dma_start3A] : memref<16x1024xf32, #tpu.memory_space<hbm>> -> memref<1x1024xf32, #tpu.memory_space<hbm>>
      %dma_start3A_38 = tpu.memref_squeeze %dma_start3A_37 : memref<1x1024xf32, #tpu.memory_space<hbm>> -> memref<1024xf32, #tpu.memory_space<hbm>>
      %dma_start3A_39 = arith.constant 0 : i32
      %dma_start3A_40 = tpu.memref_slice %arg4[%arg1, %dma_start3A_39] : memref<16x1024xf32, #tpu.memory_space<hbm>> -> memref<1x1024xf32, #tpu.memory_space<hbm>>
      %dma_start3A_41 = tpu.memref_squeeze %dma_start3A_40 : memref<1x1024xf32, #tpu.memory_space<hbm>> -> memref<1024xf32, #tpu.memory_space<hbm>>
      tpu.enqueue_dma source(%arg9 : memref<1024xf32, #tpu.memory_space<vmem>>) target(%dma_start3A_41 : memref<1024xf32, #tpu.memory_space<hbm>>) target_semaphore(%run_scoped3A : memref<!tpu.dma_semaphore, #tpu.memory_space<semaphore_mem>>)
      %dma_wait3A = arith.constant 0 : i32
      %dma_wait3A_42 = tpu.memref_slice %arg4[%arg1, %dma_wait3A] : memref<16x1024xf32, #tpu.memory_space<hbm>> -> memref<1x1024xf32, #tpu.memory_space<hbm>>
      %dma_wait3A_43 = tpu.memref_squeeze %dma_wait3A_42 : memref<1x1024xf32, #tpu.memory_space<hbm>> -> memref<1024xf32, #tpu.memory_space<hbm>>
      %dma_wait3A_44 = arith.constant 0 : i32
      %dma_wait3A_45 = tpu.memref_slice %arg4[%arg1, %dma_wait3A_44] : memref<16x1024xf32, #tpu.memory_space<hbm>> -> memref<1x1024xf32, #tpu.memory_space<hbm>>
      %dma_wait3A_46 = tpu.memref_squeeze %dma_wait3A_45 : memref<1x1024xf32, #tpu.memory_space<hbm>> -> memref<1024xf32, #tpu.memory_space<hbm>>
      tpu.wait_dma2 semaphore(%run_scoped3A : memref<!tpu.dma_semaphore, #tpu.memory_space<semaphore_mem>>) src(%arg9 : memref<1024xf32, #tpu.memory_space<vmem>>) dst(%dma_wait3A_46 : memref<1024xf32, #tpu.memory_space<hbm>>)
      tpu.yield
    }) : () -> ()
    "tpu.region"() ({
      %run_scoped3A = tpu.sem_alloc : memref<!tpu.dma_semaphore, #tpu.memory_space<semaphore_mem>>
      %dma_start3A = arith.constant 0 : i32
      %dma_start3A_37 = tpu.memref_slice %arg5[%arg1, %dma_start3A] : memref<16x1024xi32, #tpu.memory_space<hbm>> -> memref<1x1024xi32, #tpu.memory_space<hbm>>
      %dma_start3A_38 = tpu.memref_squeeze %dma_start3A_37 : memref<1x1024xi32, #tpu.memory_space<hbm>> -> memref<1024xi32, #tpu.memory_space<hbm>>
      %dma_start3A_39 = arith.constant 0 : i32
      %dma_start3A_40 = tpu.memref_slice %arg5[%arg1, %dma_start3A_39] : memref<16x1024xi32, #tpu.memory_space<hbm>> -> memref<1x1024xi32, #tpu.memory_space<hbm>>
      %dma_start3A_41 = tpu.memref_squeeze %dma_start3A_40 : memref<1x1024xi32, #tpu.memory_space<hbm>> -> memref<1024xi32, #tpu.memory_space<hbm>>
      tpu.enqueue_dma source(%arg10 : memref<1024xi32, #tpu.memory_space<vmem>>) target(%dma_start3A_41 : memref<1024xi32, #tpu.memory_space<hbm>>) target_semaphore(%run_scoped3A : memref<!tpu.dma_semaphore, #tpu.memory_space<semaphore_mem>>)
      %dma_wait3A = arith.constant 0 : i32
      %dma_wait3A_42 = tpu.memref_slice %arg5[%arg1, %dma_wait3A] : memref<16x1024xi32, #tpu.memory_space<hbm>> -> memref<1x1024xi32, #tpu.memory_space<hbm>>
      %dma_wait3A_43 = tpu.memref_squeeze %dma_wait3A_42 : memref<1x1024xi32, #tpu.memory_space<hbm>> -> memref<1024xi32, #tpu.memory_space<hbm>>
      %dma_wait3A_44 = arith.constant 0 : i32
      %dma_wait3A_45 = tpu.memref_slice %arg5[%arg1, %dma_wait3A_44] : memref<16x1024xi32, #tpu.memory_space<hbm>> -> memref<1x1024xi32, #tpu.memory_space<hbm>>
      %dma_wait3A_46 = tpu.memref_squeeze %dma_wait3A_45 : memref<1x1024xi32, #tpu.memory_space<hbm>> -> memref<1024xi32, #tpu.memory_space<hbm>>
      tpu.wait_dma2 semaphore(%run_scoped3A : memref<!tpu.dma_semaphore, #tpu.memory_space<semaphore_mem>>) src(%arg10 : memref<1024xi32, #tpu.memory_space<vmem>>) dst(%dma_wait3A_46 : memref<1024xi32, #tpu.memory_space<hbm>>)
      tpu.yield
    }) : () -> ()
    "tpu.region"() ({
      %run_scoped3A = tpu.sem_alloc : memref<!tpu.dma_semaphore, #tpu.memory_space<semaphore_mem>>
      %dma_start3A = arith.constant 0 : i32
      %dma_start3A_37 = tpu.memref_slice %arg6[%arg1, %dma_start3A] : memref<16x128xi32, #tpu.memory_space<hbm>> -> memref<1x128xi32, #tpu.memory_space<hbm>>
      %dma_start3A_38 = tpu.memref_squeeze %dma_start3A_37 : memref<1x128xi32, #tpu.memory_space<hbm>> -> memref<128xi32, #tpu.memory_space<hbm>>
      %dma_start3A_39 = arith.constant 0 : i32
      %dma_start3A_40 = tpu.memref_slice %arg6[%arg1, %dma_start3A_39] : memref<16x128xi32, #tpu.memory_space<hbm>> -> memref<1x128xi32, #tpu.memory_space<hbm>>
      %dma_start3A_41 = tpu.memref_squeeze %dma_start3A_40 : memref<1x128xi32, #tpu.memory_space<hbm>> -> memref<128xi32, #tpu.memory_space<hbm>>
      tpu.enqueue_dma source(%arg11 : memref<128xi32, #tpu.memory_space<vmem>>) target(%dma_start3A_41 : memref<128xi32, #tpu.memory_space<hbm>>) target_semaphore(%run_scoped3A : memref<!tpu.dma_semaphore, #tpu.memory_space<semaphore_mem>>)
      %dma_wait3A = arith.constant 0 : i32
      %dma_wait3A_42 = tpu.memref_slice %arg6[%arg1, %dma_wait3A] : memref<16x128xi32, #tpu.memory_space<hbm>> -> memref<1x128xi32, #tpu.memory_space<hbm>>
      %dma_wait3A_43 = tpu.memref_squeeze %dma_wait3A_42 : memref<1x128xi32, #tpu.memory_space<hbm>> -> memref<128xi32, #tpu.memory_space<hbm>>
      %dma_wait3A_44 = arith.constant 0 : i32
      %dma_wait3A_45 = tpu.memref_slice %arg6[%arg1, %dma_wait3A_44] : memref<16x128xi32, #tpu.memory_space<hbm>> -> memref<1x128xi32, #tpu.memory_space<hbm>>
      %dma_wait3A_46 = tpu.memref_squeeze %dma_wait3A_45 : memref<1x128xi32, #tpu.memory_space<hbm>> -> memref<128xi32, #tpu.memory_space<hbm>>
      tpu.wait_dma2 semaphore(%run_scoped3A : memref<!tpu.dma_semaphore, #tpu.memory_space<semaphore_mem>>) src(%arg11 : memref<128xi32, #tpu.memory_space<vmem>>) dst(%dma_wait3A_46 : memref<128xi32, #tpu.memory_space<hbm>>)
      tpu.yield
    }) : () -> ()
    return
  }
}

</mosaic_0001>

<sc_bundles>
// kernel: kernel.3.cloned.1.call-start
scs
__scs_entry_jumppad:
0x0: {  	(pc) =	sbr.rel $0x88, $3  }
0x1: {  	(tag) =	ssettag $0x0;
	lr =	simm.s32 $0x1  }
0x2: {  	[smem:$0x3FA0] =	sst lr;
	_ =	strace $0xD0000000  }
0x3: {  	_ = 	snop  }
0x4: {  	_ = 	snop  }
0x5: {  	_ = 	snop  }
0x6: {  	_ = 	snop  }
0x7: {  	_ = 	snop  }
__scs_overlays_trampoline_lowered:
0x8: {  	[smem:$0x3FAF] =	sst s0  }
0x9: {  	[smem:$0x3FB0] =	sst s1  }
0xa: {  	[smem:$0x3FB1] =	sst s2  }
0xb: {  	[smem:$0x3FB2] =	sst s3  }
0xc: {  	[smem:$0x3FB3] =	sst s4  }
0xd: {  	[smem:$0x3FB4] =	sst s5  }
0xe: {  	[smem:$0x3FB5] =	sst s6  }
0xf: {  	[smem:$0x3FB6] =	sst s7  }
0x10: {  	[smem:$0x3FB7] =	sst s8  }
0x11: {  	[smem:$0x3FB8] =	sst s9;
	s0 =	simm.s32 @!p0 $0x0  }
0x12: {  	s1 =	sld [smem:$0x3F9E];
	s0 =	simm.s32 @p0 $0x1  }
0x13: {  	[smem:$0x3FB9] =	sst s0;
	s0 =	simm.s32 @!p1 $0x0  }
0x14: {  	s2 =	sld [smem:$0x3F9D];
	s0 =	simm.s32 @p1 $0x1  }
0x15: {  	[smem:$0x3FBA] =	sst s0;
	s0 =	simm.s32 @!p2 $0x0  }
0x16: {  	s3 =	sld [smem:$0x3FDB];
	s0 =	simm.s32 @p2 $0x1  }
0x17: {  	s4 =	simm.s32 $0x1BF5;
	[smem:$0x3FBC] =	sst s0  }
0x18: {  	s0 =	sld [smem:$0x3F9F];
	_ =	swait.ge [sflag:s4], $0x0  }
0x19: {  	s7 =	sld [smem:$0x3FA0]  }
0x1a: {  	s8 =	sadd.s32 $0xFFFFE003, lr  }
0x1b: {  	s9 =	sadd.s32 $0xFFFFFEF7, lr;
	s5 =	simm.s32 $0xFFFFFFFF;
	p2 =	slt.u32 s8, $0xFFFFF086  }
0x1c: {  	p1 =	slt.u32 s9, $0xF7A;
	s5 =	simm.s32 @!p2 $0x0  }
0x1d: {  	s5 =	simm.s32 @p1 $0x1;
	p0 =	seq.s32 s7, s2  }
0x1e: {  	s7 =	smul.u32 @!p0 $0xF7A, s2;
	p2 =	seq.s32 @!p0 s5, $0x0  }
0x1f: {  	s9 =	smul.u32 $0xF7A, s1;
	s8 =	simm.s32 @!p0 $0x1BF5;
	p2 =	por !p2, p0  }
0x20: {  	[sflag:s8] =	ssyncset.s32 @!p0 $0xFFFFF086;
	s6 =	sadd.s32 @!p0 s3, s7;
	s7 =	simm.s32 @!p0 $0x108  }
0x21: {  	s3 =	sadd.s32 s3, s9;
	s6 =	sadd.s32 @!p0 $0x88, s6;
	s7 =	simm.s32 @p2 $0x1082  }
0x22: {  	[simem:s7], [sflag:s8] =	dma.local @!p0 [hbm:s6], $0xF7A  }
0x23: {  	s9 =	sor.u32 $0xD0000000, s2;
	s6 =	simm.s32 $0x108;
	_ =	swait.ge @!p0 [sflag:s8], $0x0  }
0x24: {  	s3 =	sadd.s32 $0x88, s3;
	s6 =	simm.s32 @!p1 $0x1082;
	[sflag:s4] =	ssyncset.s32 $0xFFFFF086  }
0x25: {  	[simem:s6], [sflag:s4] =	dma.local [hbm:s3], $0xF7A  }
0x26: {  	[smem:$0x3FA0] =	sst s1;
	(tag) =	ssettag s2;
	_ =	strace s9  }
0x27: {  	s1 =	sld [smem:$0x3FB0]  }
0x28: {  	s2 =	sld [smem:$0x3FB1]  }
0x29: {  	s4 =	sld [smem:$0x3FB3]  }
0x2a: {  	p0 =	seq.s32 s5, $0x0;
	s5 =	sld [smem:$0x3FB4]  }
0x2b: {  	s6 =	sld [smem:$0x3FB5]  }
0x2c: {  	s7 =	sld [smem:$0x3FB6]  }
0x2d: {  	s3 =	simm.s32 $0x108;
	s8 =	sld [smem:$0x3FB7]  }
0x2e: {  	s3 =	simm.s32 @!p0 $0x1082;
	s9 =	sld [smem:$0x3FB8]  }
0x2f: {  	lr =	sadd.s32 s0, s3;
	s0 =	sld [smem:$0x3FAF]  }
0x30: {  	s3 =	sld [smem:$0x3FB2]  }
0x31: {  	[smem:$0x3FBB] =	sst s10  }
0x32: {  	s10 =	sld [smem:$0x3FB9];
	_ =	sdelay $0x3  }
0x33: {  	p0 =	seq.s32 s10, $0x1;
	s10 =	sld [smem:$0x3FBB];
	_ =	sdelay $0x3  }
0x34: {  	[smem:$0x3FBB] =	sst s10  }
0x35: {  	s10 =	sld [smem:$0x3FBA];
	_ =	sdelay $0x3  }
0x36: {  	p1 =	seq.s32 s10, $0x1;
	s10 =	sld [smem:$0x3FBB];
	_ =	sdelay $0x3  }
0x37: {  	[smem:$0x3FBB] =	sst s10  }
0x38: {  	s10 =	sld [smem:$0x3FBC]  }
0x39: {  	_ = 	snop;
	(pc) =	sbr.ind lr, $3  }
0x3a: {  	_ = 	snop  }
0x3b: {  	_ = 	snop  }
0x3c: {  	p2 =	seq.s32 s10, $0x1;
	s10 =	sld [smem:$0x3FBB]  }
0x3d: {  	_ =	shalt  }
0x3e: {  	_ =	shalt  }
0x3f: {  	_ =	shalt  }
0x40: {  	_ =	shalt  }
0x41: {  	_ =	shalt  }
0x42: {  	_ =	shalt  }
0x43: {  	_ =	shalt  }
0x44: {  	_ =	shalt  }
0x45: {  	_ =	shalt  }
0x46: {  	_ =	shalt  }
0x47: {  	_ =	shalt  }
0x48: {  	_ =	shalt  }
0x49: {  	_ =	shalt  }
0x4a: {  	_ =	shalt  }
0x4b: {  	_ =	shalt  }
0x4c: {  	_ =	shalt  }
0x4d: {  	_ =	shalt  }
0x4e: {  	_ =	shalt  }
0x4f: {  	_ =	shalt  }
0x50: {  	_ =	shalt  }
0x51: {  	_ =	shalt  }
0x52: {  	_ =	shalt  }
0x53: {  	_ =	shalt  }
0x54: {  	_ =	shalt  }
0x55: {  	_ =	shalt  }
0x56: {  	_ =	shalt  }
0x57: {  	_ =	shalt  }
0x58: {  	_ =	shalt  }
0x59: {  	_ =	shalt  }
0x5a: {  	_ =	shalt  }
0x5b: {  	_ =	shalt  }
0x5c: {  	_ =	shalt  }
0x5d: {  	_ =	shalt  }
0x5e: {  	_ =	shalt  }
0x5f: {  	_ =	shalt  }
0x60: {  	_ =	shalt  }
0x61: {  	_ =	shalt  }
0x62: {  	_ =	shalt  }
0x63: {  	_ =	shalt  }
0x64: {  	_ =	shalt  }
0x65: {  	_ =	shalt  }
0x66: {  	_ =	shalt  }
0x67: {  	_ =	shalt  }
0x68: {  	_ =	shalt  }
0x69: {  	_ =	shalt  }
0x6a: {  	_ =	shalt  }
0x6b: {  	_ =	shalt  }
0x6c: {  	_ =	shalt  }
0x6d: {  	_ =	shalt  }
0x6e: {  	_ =	shalt  }
0x6f: {  	_ =	shalt  }
0x70: {  	_ =	shalt  }
0x71: {  	_ =	shalt  }
0x72: {  	_ =	shalt  }
0x73: {  	_ =	shalt  }
0x74: {  	_ =	shalt  }
0x75: {  	_ =	shalt  }
0x76: {  	_ =	shalt  }
0x77: {  	_ =	shalt  }
0x78: {  	_ =	shalt  }
0x79: {  	_ =	shalt  }
0x7a: {  	_ =	shalt  }
0x7b: {  	_ =	shalt  }
0x7c: {  	_ =	shalt  }
0x7d: {  	_ =	shalt  }
0x7e: {  	_ =	shalt  }
0x7f: {  	_ =	shalt  }
0x80: {  	_ =	shalt  }
0x81: {  	_ =	shalt  }
0x82: {  	_ =	shalt  }
0x83: {  	_ =	shalt  }
0x84: {  	_ =	shalt  }
0x85: {  	_ =	shalt  }
0x86: {  	_ =	shalt  }
0x87: {  	_ =	shalt  }
.Lfunc_end0:
.L_simem_size_0:
called_computation_lowered:
.L_overlay_start_0:
0x88: {  	s0 =	sld [smem:$0x3FD9]  }
0x89: {  	s1 =	sld [smem:$0x3FFE];
	_ =	sdelay $0x3  }
0x8a: {  	s0 =	sadd.s32 s1, s0  }
0x8b: {  	[smem:$0x3FC7] =	sst s0  }
0x8c: {  	_ = 	snop  }
0x8d: {  	s0 =	sld [smem:$0x3FD0];
	_ =	sdelay $0x2  }
0x8e: {  	s13 =	simm.s32 $0xA;
	s2 =	simm.s32 $0x10  }
0x8f: {  	[smem:s2], [sflag:s13] =	dma.local [hbm:s0], $0x1  }
0x90: {  	_ =	swait.eq [sflag:s13], $0x1  }
0x91: {  	s14 =	sld [smem:$0x11];
	[sflag:s13] =	ssyncset.done $0x0  }
0x92: {  	s15 =	sld [smem:$0x12];
	[sflag:s13] =	ssyncadd.s32 $0xFFFFFFFF  }
0x93: {  	s16 =	sld [smem:$0x13];
	(tm) =	ssettm $0x1  }
0x94: {  	s3 =	sld [smem:$0x3FFB];
	_ =	sdelay $0x3  }
0x95: {  	_ =	strace s3  }
0x96: {  	s3 =	sld [smem:$0x3FFC];
	_ =	sdelay $0x3  }
0x97: {  	_ =	strace s3  }
0x98: {  	s3 =	sld [smem:$0x3FFD];
	_ =	sdelay $0x3  }
0x99: {  	_ =	strace s3  }
0x9a: {  	_ =	strace $0x8FFFFFFF  }
0x9b: {  	s17 =	sld [smem:$0x3FDB];
	_ =	sdelay $0x1  }
0x9c: {  	s4 =	simm.s32 $_scs_section_size  }
0x9d: {  	s5 =	simm.s32 $_size__tile_overlayer_lowered;
	s6 =	simm.s32 $_tile_overlayer_lowered  }
0x9e: {  	s20 =	simm.s32 $0x1BFF;
	s19 =	sshll.u32 s6, $0x1;
	s3 =	sadd.s32 s4, s17  }
0x9f: {  	s7 =	simm.s32 $0x0;
	s18 =	sshll.u32 s5, $0x1;
	s5 =	sadd.s32 s19, s3  }
0xa0: {  	[timem:s7], [sflag:s20] =	dma.local [hbm:s5], s18  }
0xa1: {  	_ =	swait.ge [sflag:s20], s18  }
0xa2: {  	s4 =	ssub.s32 $0x0, s18;
	[sflag:s20] =	ssyncset.done $0x0  }
0xa3: {  	[sflag:s20] =	ssyncadd.s32 s4;
	_ =	sdelay $0x1  }
0xa4: {  	s21 =	simm.s32 $0x1B8B  }
0xa5: {  	_ =	swait.ge [sflag:s21], $0x1  }
0xa6: {  	[sflag:s21] =	ssyncset.done $0x0  }
0xa7: {  	s23 =	simm.s32 $0x1B8E;
	s22 =	sld [smem:$0x3FFE];
	[sflag:s21] =	ssyncadd.s32 $0xFFFFFFFF  }
0xa8: {  	s24 =	simm.s32 $execute0_lowered;
	[smem:$0x3FD2] =	sst s23  }
0xa9: {  	s5 =	sshll.u32 s24, $0x1;
	_ =	strace $0x80000046;
	[dreg:$0x1] =	wrdreg $0xFFFFFFFF  }
0xaa: {  	s25 =	simm.s32 $_size_execute0_lowered;
	s3 =	sadd.s32 s3, s5;
	[dreg:$0x0] =	wrdreg $0x0  }
0xab: {  	s5 =	sshll.u32 s25, $0x1;
	[dreg:$0x2] =	wrdreg s3  }
0xac: {  	[dreg:$0x3] =	wrdreg s5  }
0xad: {  	[dreg:$0x4] =	wrdreg $0xC0  }
0xae: {  	_ =	task [dreg:s7], $0x5FFFF  }
0xaf: {  	[dreg:$0x1] =	wrdreg $0xFFFFFFFF  }
0xb0: {  	[dreg:$0x0] =	wrdreg $0x60  }
0xb1: {  	[dreg:$0x2] =	wrdreg s22  }
0xb2: {  	[dreg:$0x3] =	wrdreg s14  }
0xb3: {  	[dreg:$0x4] =	wrdreg s15  }
0xb4: {  	[dreg:$0x5] =	wrdreg s16  }
0xb5: {  	[dreg:$0x6] =	wrdreg $0x9  }
0xb6: {  	_ =	task.clear_ibuf [dreg:s7], $0x7FFFF;
	_ =	strace $0x90000046  }
0xb7: {  	s26 =	simm.s32 $0x9;
	_ =	strace $0x80000048  }
0xb8: {  	_ =	swait.ge [sflag:s26], $0x1  }
0xb9: {  	[sflag:s26] =	ssyncadd.s32 $0xFFFFFFFF  }
0xba: {  	_ =	strace $0x90000048  }
0xbb: {  	_ =	sfence  }
0xbc: {  	s28 =	sld [smem:$0x0];
	_ =	sdelay $0x1  }
0xbd: {  	s29 =	srdreg.scid  }
0xbe: {  	s30 =	sshll.u32 s29, $0xD;
	s31 =	sshrl.u32 s29, $0x2  }
0xbf: {  	s1 =	sand.u32 $0x1, s29;
	s2 =	sand.u32 $0x4000, s30;
	s0 =	sadd.s32 s31, s28  }
0xc0: {  	s1 =	sor.u32 s2, s1;
	s0 =	sshll.u32 s0, $0x11  }
0xc1: {  	s0 =	sor.u32 s0, s1  }
0xc2: {  	s0 =	sadd.s32 $0x8F2B, s0  }
0xc3: {  	[sflag:s0] =	ssyncadd.remote.s32 $0x1  }
0xc4: {  	_ =	sfence.sel $0xFFFF  }
0xc5: {  	[dreg:$0x0] =	wrdreg $0xFFFFFFFF;
	(pc) =	sbr.abs _section_cstart, $3  }
0xc6: {  	[dreg:$0x1] =	wrdreg $0xFFFFFFFF  }
0xc7: {  	_ =	task.clear_ibuf [dreg:s7], $0x2FFFF;
	_ =	strace $0x9FFFFFFF  }
0xc8: {  	(tm) =	ssettm $0x7FFFFFFF  }
0xc9: {  	_ =	shalt  }
tec
execute0_lowered:
.L_overlay_start_1:
0x0: {  	(tag) =	ssettag $0x1  }
0x1: {  	s1 =	rddreg [dreg:$0x0]  }
0x2: {  	s5 =	rddreg [dreg:$0x1]  }
0x3: {  	s4 =	rddreg [dreg:$0x2]  }
0x4: {  	s3 =	rddreg [dreg:$0x3];
	s6 =	simm.s32 $0x0  }
0x5: {  	[smem:$0x7FF] =	sst s6  }
0x6: {  	s0 =	rddreg [dreg:$0x4];
	s2 =	sadd.s32 $0x800, s1;
	_ =	strace $0x80000047  }
0x7: {  	[tilespmem:s6], [sflag:$0x1] =	stream.linear.gather [hbm4b:s2+s6], $0xDB00, $0x38;
	[tilespmem:$0xF380] =	vst v63  }
0x8: {  	v0 =	vimm.f32 $0.0e+00;
	s2 =	sadd.s32 $0x2400, s1;
	s1 =	stileid.u32  }
.LBB2_1:
0x9: {  	p0 =	sne.s32 s6, $0x3FC0  }
.Ltmp0:
0xa: {  	_ = 	snop;
	(pc) =	sbr.rel @p0 .LBB2_1-.Ltmp0, $3  }
0xb: {  	_ =	sdelay $0x1  }
0xc: {  	s7 =	sshra.s32 s6, $0x2  }
0xd: {  	s6 =	sadd.s32 $0x40, s6;
	[tilespmem:s7+$0xDB00] =	vst v0  }
0xe: {  	v0 =	vimm.f32 $0.0e+00;
	v1 =	vimm.s32 $0x0;
	s6 =	simm.s32 $0x40;
	s7 =	simm.s32 $0x0  }
.LBB2_3:
0xf: {  	p0 =	sne.s32 s6, $0xFC0;
	[tilespmem:s7+$0xEB00] =	vst v0;
	s8 =	smov.u32 s6;
	s6 =	sadd.s32 $0x40, s6  }
.Ltmp1:
0x10: {  	[tilespmem:s7+$0xEF00] =	vst v1;
	(pc) =	sbr.rel @p0 .LBB2_3-.Ltmp1, $2  }
0x11: {  	_ =	sdelay $0x2  }
0x12: {  	s7 =	sshra.s32 s8, $0x2  }
0x13: {  	[tilespmem:s7+$0xEB00] =	vst v0  }
0x14: {  	[tilespmem:s7+$0xEF00] =	vst v1;
	s6 =	simm.s32 $0x1  }
0x15: {  	_ =	swait.ge [sflag:s6], $0xDB00  }
0x16: {  	[sflag:s6] =	ssyncset.done $0x0  }
0x17: {  	s10 =	simm.s32 $0x0;
	[sflag:s6] =	ssyncadd.s32 $0xFFFF2500  }
0x18: {  	v2 =	vld [tilespmem:s10+$0x0];
	_ =	sdelay $0x1  }
0x19: {  	s26 =	scvt.s32.f32 s1;
	_ =	sdelay $0x1  }
0x1a: {  	v0 =	vmov s26  }
0x1b: {  	v1 =	vimm.s32 $0x0;
	vm0 =	veq.f32 v2, v0  }
0x1c: {  	v2 =	vsel vm0, $0x1, v1  }
0x1d: {  	(xrf0) =	vadd.scan.msk.s32 $0xffff, v2;
	_ =	sdelay $0x5  }
0x1e: {  	v2, _, _ =	vpop (xrf0)  }
0x1f: {  	v3 =	vadd.s32 v2, v1  }
0x20: {  	v3 =	vadd.s32 $0xFFFFFFFF, v3  }
0x21: {  	vm1 =	vlt.s32 v3, $0x3E8  }
0x22: {  	vm0 =	vmand vm0, vm1  }
0x23: {  	v5 =	vld [tilespmem:s10+$0x1F40];
	v4 =	vshll.u32 v3, $0x2;
	_ =	sdelay $0x2  }
0x24: {  	v6 =	vld [tilespmem:s10+$0x30]  }
0x25: {  	s9 =	simm.s32 $0x0;
	s6 =	simm.s32 $0xDB00;
	v7 =	vld [tilespmem:s10+$0x20]  }
0x26: {  	s8 =	sand.u32 $0x1FC0, s9;
	v8 =	vld [tilespmem:s10+$0x10];
	[tilespmem:v4+s6+$0x0] =	vst.idx.msk vm0, v5  }
0x27: {  	v9 =	vor.u32 $0x1, v4;
	v5 =	vld [tilespmem:s8+$0x3E80];
	_ =	sdelay $0x2  }
0x28: {  	v2 =	vxor.u32 $0x80000000, v2  }
0x29: {  	(xrf0) =	vmax.scan.msk.u32 $0xffff, v2  }
0x2a: {  	[tilespmem:v9+s6+$0x0] =	vst.idx.msk vm0, v5  }
0x2b: {  	v5 =	vor.u32 $0x2, v4;
	v2 =	vld [tilespmem:s10+$0x5DC0];
	_ =	sdelay $0x3  }
0x2c: {  	v58, _, _ =	vpop (xrf0)  }
0x2d: {  	(v2sf) =	vpush v58, $0xF;
	[tilespmem:v5+s6+$0x0] =	vst.idx.msk vm0, v2  }
0x2e: {  	v4 =	vor.u32 $0x3, v4;
	v2 =	vld [tilespmem:s8+$0x7D00];
	_ =	sdelay $0x4  }
0x2f: {  	[tilespmem:v4+s6+$0x0] =	vst.idx.msk vm0, v2  }
0x30: {  	v2 =	vld [tilespmem:s10+$0x9C40];
	_ =	sdelay $0x1  }
0x31: {  	vm1 =	veq.f32 v8, v0  }
0x32: {  	v4 =	vsel vm1, $0x1, v1  }
0x33: {  	s7 =	simm.s32 $0xEB00;
	(xrf0) =	vadd.scan.msk.s32 $0xffff, v4  }
0x34: {  	[tilespmem:v3+s7+$0x0] =	vst.idx.msk vm0, v2  }
0x35: {  	v2 =	vld [tilespmem:s8+$0xBB80];
	_ =	sdelay $0x1  }
0x36: {  	s28 =	spop (v2sf)  }
0x37: {  	s8 =	sxor.u32 $0x80000000, s28  }
0x38: {  	v5, _, _ =	vpop (xrf0);
	v4 =	vadd.s32 s8, v1  }
0x39: {  	v59 =	vadd.s32 v4, v5;
	v2 =	vtrunc.f32 v2  }
0x3a: {  	v8 =	vadd.s32 $0xFFFFFFFF, v59;
	v2 =	vcvt.f32.s32 v2  }
0x3b: {  	s8 =	simm.s32 $0xEF00;
	vm2 =	vlt.s32 v8, $0x3E8  }
0x3c: {  	[tilespmem:v3+s8+$0x0] =	vst.idx.msk vm0, v2;
	vm0 =	vmand vm1, vm2  }
0x3d: {  	v2 =	vshll.u32 v8, $0x2;
	v3 =	vld [tilespmem:s10+$0x1F50];
	_ =	sdelay $0x4  }
0x3e: {  	[tilespmem:v2+s6+$0x0] =	vst.idx.msk vm0, v3  }
0x3f: {  	v60 =	vor.u32 $0x1, v2;
	v3 =	vld [tilespmem:s10+$0x3E90];
	_ =	sdelay $0x2  }
0x40: {  	v5 =	vxor.u32 $0x80000000, v5  }
0x41: {  	(xrf0) =	vmax.scan.msk.u32 $0xffff, v5  }
0x42: {  	[tilespmem:v60+s6+$0x0] =	vst.idx.msk vm0, v3  }
0x43: {  	v5 =	vor.u32 $0x2, v2;
	v3 =	vld [tilespmem:s10+$0x5DD0];
	_ =	sdelay $0x3  }
0x44: {  	v61, _, _ =	vpop (xrf0)  }
0x45: {  	(v2sf) =	vpush v61, $0xF;
	[tilespmem:v5+s6+$0x0] =	vst.idx.msk vm0, v3  }
0x46: {  	v2 =	vor.u32 $0x3, v2;
	v3 =	vld [tilespmem:s10+$0x7D10];
	_ =	sdelay $0x4  }
0x47: {  	[tilespmem:v2+s6+$0x0] =	vst.idx.msk vm0, v3  }
0x48: {  	v2 =	vld [tilespmem:s10+$0x9C50];
	_ =	sdelay $0x1  }
0x49: {  	vm1 =	veq.f32 v7, v0  }
0x4a: {  	v3 =	vsel vm1, $0x1, v1  }
0x4b: {  	(xrf0) =	vadd.scan.msk.s32 $0xffff, v3  }
0x4c: {  	[tilespmem:v8+s7+$0x0] =	vst.idx.msk vm0, v2  }
0x4d: {  	v2 =	vld [tilespmem:s10+$0xBB90];
	_ =	sdelay $0x1  }
0x4e: {  	s11 =	spop (v2sf)  }
0x4f: {  	s11 =	sxor.u32 $0x80000000, s11  }
0x50: {  	v3 =	vadd.s32 s11, v4;
	v4, _, _ =	vpop (xrf0)  }
0x51: {  	v5 =	vadd.s32 v3, v4;
	v2 =	vtrunc.f32 v2  }
0x52: {  	v5 =	vadd.s32 $0xFFFFFFFF, v5;
	v2 =	vcvt.f32.s32 v2  }
0x53: {  	vm2 =	vlt.s32 v5, $0x3E8  }
0x54: {  	[tilespmem:v8+s8+$0x0] =	vst.idx.msk vm0, v2;
	vm0 =	vmand vm1, vm2  }
0x55: {  	v2 =	vshll.u32 v5, $0x2;
	v7 =	vld [tilespmem:s10+$0x1F60];
	_ =	sdelay $0x4  }
0x56: {  	[tilespmem:v2+s6+$0x0] =	vst.idx.msk vm0, v7  }
0x57: {  	v62 =	vor.u32 $0x1, v2;
	v7 =	vld [tilespmem:s10+$0x3EA0];
	_ =	sdelay $0x2  }
0x58: {  	v4 =	vxor.u32 $0x80000000, v4  }
0x59: {  	(xrf0) =	vmax.scan.msk.u32 $0xffff, v4  }
0x5a: {  	[tilespmem:v62+s6+$0x0] =	vst.idx.msk vm0, v7  }
0x5b: {  	v7 =	vor.u32 $0x2, v2;
	v4 =	vld [tilespmem:s10+$0x5DE0];
	_ =	sdelay $0x3  }
0x5c: {  	v63, _, _ =	vpop (xrf0)  }
0x5d: {  	(v2sf) =	vpush v63, $0xF;
	[tilespmem:v7+s6+$0x0] =	vst.idx.msk vm0, v4  }
0x5e: {  	v2 =	vor.u32 $0x3, v2;
	v4 =	vld [tilespmem:s10+$0x7D20];
	_ =	sdelay $0x4  }
0x5f: {  	[tilespmem:v2+s6+$0x0] =	vst.idx.msk vm0, v4  }
0x60: {  	v2 =	vld [tilespmem:s10+$0x9C60];
	_ =	sdelay $0x1  }
0x61: {  	vm1 =	veq.f32 v6, v0  }
0x62: {  	v4 =	vsel vm1, $0x1, v1  }
0x63: {  	(xrf0) =	vadd.scan.msk.s32 $0xffff, v4  }
0x64: {  	[tilespmem:v5+s7+$0x0] =	vst.idx.msk vm0, v2  }
0x65: {  	v2 =	vld [tilespmem:s10+$0xBBA0];
	_ =	sdelay $0x1  }
0x66: {  	s29 =	spop (v2sf)  }
0x67: {  	s11 =	sxor.u32 $0x80000000, s29  }
0x68: {  	v4 =	vadd.s32 s11, v3;
	v6, _, _ =	vpop (xrf0)  }
0x69: {  	v3 =	vadd.s32 v4, v6;
	v2 =	vtrunc.f32 v2  }
0x6a: {  	v3 =	vadd.s32 $0xFFFFFFFF, v3;
	v2 =	vcvt.f32.s32 v2  }
0x6b: {  	vm2 =	vlt.s32 v3, $0x3E8  }
0x6c: {  	[tilespmem:v5+s8+$0x0] =	vst.idx.msk vm0, v2;
	vm0 =	vmand vm1, vm2  }
0x6d: {  	v2 =	vshll.u32 v3, $0x2;
	v5 =	vld [tilespmem:s10+$0x1F70];
	_ =	sdelay $0x4  }
0x6e: {  	[tilespmem:v2+s6+$0x0] =	vst.idx.msk vm0, v5  }
0x6f: {  	v7 =	vor.u32 $0x1, v2;
	v5 =	vld [tilespmem:s10+$0x3EB0];
	_ =	sdelay $0x4  }
0x70: {  	v6 =	vxor.u32 $0x80000000, v6;
	[tilespmem:v7+s6+$0x0] =	vst.idx.msk vm0, v5  }
0x71: {  	(xrf0) =	vmax.scan.msk.u32 $0xffff, v6;
	v6 =	vor.u32 $0x2, v2;
	v5 =	vld [tilespmem:s10+$0x5DF0];
	_ =	sdelay $0x4  }
0x72: {  	[tilespmem:v6+s6+$0x0] =	vst.idx.msk vm0, v5  }
0x73: {  	v2 =	vor.u32 $0x3, v2;
	v5, _, _ =	vpop (xrf0);
	v6 =	vld [tilespmem:s10+$0x7D30]  }
0x74: {  	(v2sf) =	vpush v5, $0xF;
	_ =	sdelay $0x3  }
0x75: {  	[tilespmem:v2+s6+$0x0] =	vst.idx.msk vm0, v6  }
0x76: {  	v2 =	vld [tilespmem:s10+$0x9C70];
	_ =	sdelay $0x4  }
0x77: {  	[tilespmem:v3+s7+$0x0] =	vst.idx.msk vm0, v2  }
0x78: {  	v2 =	vld [tilespmem:s10+$0xBBB0];
	_ =	sdelay $0x3  }
0x79: {  	s30 =	spop (v2sf)  }
0x7a: {  	s31 =	sxor.u32 $0x80000000, s30;
	v5 =	vtrunc.f32 v2  }
0x7b: {  	s13 =	simm.s32 $0x200;
	s10 =	simm.s32 $0x100;
	v2 =	vadd.s32 s31, v4;
	v4 =	vcvt.f32.s32 v5  }
.LBB2_5:
0x7c: {  	s12 =	sshra.s32 s10, $0x2  }
0x7d: {  	s9 =	sadd.s32 $0x40, s9;
	s10 =	smov.u32 s13;
	s11 =	sadd.s32 $0x100, s13;
	[tilespmem:v3+s8+$0x0] =	vst.idx.msk vm0, v4  }
0x7e: {  	p0 =	sne.s32 s13, $0x7C00;
	v3 =	vld [tilespmem:s12+$0x0];
	_ =	sdelay $0x4  }
0x7f: {  	vm0 =	veq.f32 v3, v0  }
0x80: {  	v3 =	vsel vm0, $0x1, v1  }
0x81: {  	(xrf0) =	vadd.scan.msk.s32 $0xffff, v3;
	_ =	sdelay $0x5  }
0x82: {  	v3, _, _ =	vpop (xrf0)  }
0x83: {  	v4 =	vadd.s32 v3, v2;
	v3 =	vxor.u32 $0x80000000, v3  }
0x84: {  	v4 =	vadd.s32 $0xFFFFFFFF, v4;
	(xrf0) =	vmax.scan.msk.u32 $0xffff, v3  }
0x85: {  	vm1 =	vlt.s32 v4, $0x3E8  }
0x86: {  	vm0 =	vmand vm0, vm1  }
0x87: {  	v3 =	vshll.u32 v4, $0x2;
	v5 =	vld [tilespmem:s12+$0x1F40];
	_ =	sdelay $0x1  }
0x88: {  	v6 =	vld [tilespmem:s12+$0x30]  }
0x89: {  	v7 =	vld [tilespmem:s12+$0x20];
	v8, _, _ =	vpop (xrf0)  }
0x8a: {  	v9 =	vld [tilespmem:s12+$0x10];
	(v2sf) =	vpush v8, $0xF  }
0x8b: {  	s13 =	sand.u32 $0x1FC0, s9;
	[tilespmem:v3+s6+$0x0] =	vst.idx.msk vm0, v5  }
0x8c: {  	v8 =	vor.u32 $0x1, v3;
	v5 =	vld [tilespmem:s13+$0x3E80];
	_ =	sdelay $0x4  }
0x8d: {  	[tilespmem:v8+s6+$0x0] =	vst.idx.msk vm0, v5  }
0x8e: {  	v8 =	vor.u32 $0x2, v3;
	v5 =	vld [tilespmem:s12+$0x5DC0]  }
0x8f: {  	vm1 =	veq.f32 v9, v0  }
0x90: {  	v9 =	vsel vm1, $0x1, v1  }
0x91: {  	(xrf0) =	vadd.scan.msk.s32 $0xffff, v9;
	_ =	sdelay $0x1  }
0x92: {  	[tilespmem:v8+s6+$0x0] =	vst.idx.msk vm0, v5  }
0x93: {  	v3 =	vor.u32 $0x3, v3;
	v5 =	vld [tilespmem:s13+$0x7D00]  }
0x94: {  	s14 =	spop (v2sf)  }
0x95: {  	s14 =	sxor.u32 $0x80000000, s14  }
0x96: {  	v2 =	vadd.s32 s14, v2;
	v8, _, _ =	vpop (xrf0)  }
0x97: {  	v9 =	vadd.s32 v2, v8;
	v8 =	vxor.u32 $0x80000000, v8  }
0x98: {  	[tilespmem:v3+s6+$0x0] =	vst.idx.msk vm0, v5;
	(xrf0) =	vmax.scan.msk.u32 $0xffff, v8  }
0x99: {  	v3 =	vld [tilespmem:s12+$0x9C40];
	_ =	sdelay $0x4  }
0x9a: {  	[tilespmem:v4+s7+$0x0] =	vst.idx.msk vm0, v3;
	v3, _, _ =	vpop (xrf0)  }
0x9b: {  	v5 =	vld [tilespmem:s13+$0xBB80];
	(v2sf) =	vpush v3, $0xF;
	_ =	sdelay $0x4  }
0x9c: {  	v3 =	vtrunc.f32 v5  }
0x9d: {  	v5 =	vadd.s32 $0xFFFFFFFF, v9;
	v3 =	vcvt.f32.s32 v3  }
0x9e: {  	vm2 =	vlt.s32 v5, $0x3E8  }
0x9f: {  	vm1 =	vmand vm1, vm2;
	[tilespmem:v4+s8+$0x0] =	vst.idx.msk vm0, v3  }
0xa0: {  	vm2 =	veq.f32 v7, v0;
	v3 =	vshll.u32 v5, $0x2;
	v4 =	vld [tilespmem:s12+$0x1F50]  }
0xa1: {  	v7 =	vsel vm2, $0x1, v1  }
0xa2: {  	(xrf0) =	vadd.scan.msk.s32 $0xffff, v7;
	_ =	sdelay $0x2  }
0xa3: {  	[tilespmem:v3+s6+$0x0] =	vst.idx.msk vm1, v4  }
0xa4: {  	v7 =	vor.u32 $0x1, v3;
	v4 =	vld [tilespmem:s12+$0x3E90];
	s13 =	spop (v2sf)  }
0xa5: {  	s13 =	sxor.u32 $0x80000000, s13  }
0xa6: {  	v2 =	vadd.s32 s13, v2;
	v8, _, _ =	vpop (xrf0)  }
0xa7: {  	v9 =	vadd.s32 v2, v8;
	v8 =	vxor.u32 $0x80000000, v8  }
0xa8: {  	(xrf0) =	vmax.scan.msk.u32 $0xffff, v8  }
0xa9: {  	[tilespmem:v7+s6+$0x0] =	vst.idx.msk vm1, v4  }
0xaa: {  	v7 =	vor.u32 $0x2, v3;
	v4 =	vld [tilespmem:s12+$0x5DD0];
	_ =	sdelay $0x3  }
0xab: {  	v8, _, _ =	vpop (xrf0)  }
0xac: {  	[tilespmem:v7+s6+$0x0] =	vst.idx.msk vm1, v4;
	(v2sf) =	vpush v8, $0xF  }
0xad: {  	v3 =	vor.u32 $0x3, v3;
	v4 =	vld [tilespmem:s12+$0x7D10];
	_ =	sdelay $0x4  }
0xae: {  	[tilespmem:v3+s6+$0x0] =	vst.idx.msk vm1, v4  }
0xaf: {  	v3 =	vld [tilespmem:s12+$0x9C50];
	_ =	sdelay $0x1  }
0xb0: {  	vm0 =	veq.f32 v6, v0  }
0xb1: {  	v4 =	vsel vm0, $0x1, v1  }
0xb2: {  	(xrf0) =	vadd.scan.msk.s32 $0xffff, v4  }
0xb3: {  	[tilespmem:v5+s7+$0x0] =	vst.idx.msk vm1, v3  }
0xb4: {  	v3 =	vld [tilespmem:s12+$0xBB90];
	_ =	sdelay $0x1  }
0xb5: {  	s13 =	spop (v2sf)  }
0xb6: {  	s13 =	sxor.u32 $0x80000000, s13  }
0xb7: {  	v2 =	vadd.s32 s13, v2;
	v4, _, _ =	vpop (xrf0)  }
0xb8: {  	v3 =	vtrunc.f32 v3;
	v6 =	vadd.s32 v2, v4;
	v4 =	vxor.u32 $0x80000000, v4  }
0xb9: {  	v7 =	vadd.s32 $0xFFFFFFFF, v9;
	v3 =	vcvt.f32.s32 v3;
	(xrf0) =	vmax.scan.msk.u32 $0xffff, v4  }
0xba: {  	vm3 =	vlt.s32 v7, $0x3E8  }
0xbb: {  	[tilespmem:v5+s8+$0x0] =	vst.idx.msk vm1, v3;
	vm1 =	vmand vm2, vm3  }
0xbc: {  	v3 =	vshll.u32 v7, $0x2;
	v4 =	vld [tilespmem:s12+$0x1F60];
	_ =	sdelay $0x2  }
0xbd: {  	v5, _, _ =	vpop (xrf0)  }
0xbe: {  	(v2sf) =	vpush v5, $0xF  }
0xbf: {  	[tilespmem:v3+s6+$0x0] =	vst.idx.msk vm1, v4  }
0xc0: {  	v5 =	vor.u32 $0x1, v3;
	v4 =	vld [tilespmem:s12+$0x3EA0];
	_ =	sdelay $0x4  }
0xc1: {  	[tilespmem:v5+s6+$0x0] =	vst.idx.msk vm1, v4  }
0xc2: {  	v5 =	vor.u32 $0x2, v3;
	v4 =	vld [tilespmem:s12+$0x5DE0];
	_ =	sdelay $0x4  }
0xc3: {  	[tilespmem:v5+s6+$0x0] =	vst.idx.msk vm1, v4  }
0xc4: {  	v3 =	vor.u32 $0x3, v3;
	v4 =	vld [tilespmem:s12+$0x7D20]  }
0xc5: {  	s13 =	spop (v2sf)  }
0xc6: {  	s13 =	sxor.u32 $0x80000000, s13  }
0xc7: {  	v2 =	vadd.s32 s13, v2;
	_ =	sdelay $0x1  }
0xc8: {  	[tilespmem:v3+s6+$0x0] =	vst.idx.msk vm1, v4  }
0xc9: {  	v3 =	vld [tilespmem:s12+$0x9C60];
	_ =	sdelay $0x4  }
0xca: {  	[tilespmem:v7+s7+$0x0] =	vst.idx.msk vm1, v3  }
0xcb: {  	v3 =	vld [tilespmem:s12+$0xBBA0];
	_ =	sdelay $0x4  }
0xcc: {  	v3 =	vtrunc.f32 v3  }
0xcd: {  	v4 =	vcvt.f32.s32 v3;
	v3 =	vadd.s32 $0xFFFFFFFF, v6  }
0xce: {  	vm2 =	vlt.s32 v3, $0x3E8  }
0xcf: {  	[tilespmem:v7+s8+$0x0] =	vst.idx.msk vm1, v4;
	vm0 =	vmand vm0, vm2  }
0xd0: {  	v4 =	vshll.u32 v3, $0x2;
	v5 =	vld [tilespmem:s12+$0x1F70];
	_ =	sdelay $0x4  }
0xd1: {  	[tilespmem:v4+s6+$0x0] =	vst.idx.msk vm0, v5  }
0xd2: {  	v6 =	vor.u32 $0x1, v4;
	v5 =	vld [tilespmem:s12+$0x3EB0];
	_ =	sdelay $0x4  }
0xd3: {  	[tilespmem:v6+s6+$0x0] =	vst.idx.msk vm0, v5  }
0xd4: {  	v6 =	vor.u32 $0x2, v4;
	v5 =	vld [tilespmem:s12+$0x5DF0];
	_ =	sdelay $0x4  }
0xd5: {  	[tilespmem:v6+s6+$0x0] =	vst.idx.msk vm0, v5  }
0xd6: {  	v4 =	vor.u32 $0x3, v4;
	v5 =	vld [tilespmem:s12+$0x7D30];
	_ =	sdelay $0x4  }
0xd7: {  	[tilespmem:v4+s6+$0x0] =	vst.idx.msk vm0, v5  }
0xd8: {  	v4 =	vld [tilespmem:s12+$0x9C70];
	_ =	sdelay $0x4  }
0xd9: {  	[tilespmem:v3+s7+$0x0] =	vst.idx.msk vm0, v4  }
0xda: {  	v4 =	vld [tilespmem:s12+$0xBBB0];
	_ =	sdelay $0x1  }
.Ltmp2:
0xdb: {  	(pc) =	sbr.rel @p0 .LBB2_5-.Ltmp2, $3  }
0xdc: {  	_ =	sdelay $0x1  }
0xdd: {  	v4 =	vtrunc.f32 v4  }
0xde: {  	s13 =	smov.u32 s11;
	v4 =	vcvt.f32.s32 v4  }
0xdf: {  	_ =	sdelay $0x4  }
0xe0: {  	s10 =	sshra.s32 s10, $0x2;
	[tilespmem:v3+s8+$0x0] =	vst.idx.msk vm0, v4  }
0xe1: {  	v3 =	vld [tilespmem:s10+$0x0];
	_ =	sdelay $0x4  }
0xe2: {  	vm7 =	veq.f32 v3, v0  }
0xe3: {  	v3 =	vsel vm7, $0x1, v1  }
0xe4: {  	(xrf0) =	vadd.scan.msk.s32 $0xffff, v3;
	_ =	sdelay $0x5  }
0xe5: {  	v3, _, _ =	vpop (xrf0)  }
0xe6: {  	v37 =	vadd.s32 v3, v2  }
0xe7: {  	v4 =	vadd.s32 $0xFFFFFFFF, v37  }
0xe8: {  	vm1 =	vlt.s32 v4, $0x3E8  }
0xe9: {  	vm0 =	vmand vm7, vm1  }
0xea: {  	v6 =	vld [tilespmem:s10+$0x1F40];
	v5 =	vshll.u32 v4, $0x2;
	_ =	sdelay $0x2  }
0xeb: {  	v7 =	vld [tilespmem:s10+$0x30]  }
0xec: {  	s9 =	sadd.s32 $0x40, s9;
	v8 =	vld [tilespmem:s10+$0x20]  }
0xed: {  	s9 =	sand.u32 $0x1FC0, s9;
	v9 =	vld [tilespmem:s10+$0x10];
	[tilespmem:v5+s6+$0x0] =	vst.idx.msk vm0, v6  }
0xee: {  	v10 =	vor.u32 $0x1, v5;
	v6 =	vld [tilespmem:s9+$0x3E80];
	_ =	sdelay $0x2  }
0xef: {  	v3 =	vxor.u32 $0x80000000, v3  }
0xf0: {  	(xrf0) =	vmax.scan.msk.u32 $0xffff, v3  }
0xf1: {  	[tilespmem:v10+s6+$0x0] =	vst.idx.msk vm0, v6  }
0xf2: {  	v39 =	vor.u32 $0x2, v5;
	v38 =	vld [tilespmem:s10+$0x5DC0];
	_ =	sdelay $0x3  }
0xf3: {  	v40, _, _ =	vpop (xrf0)  }
0xf4: {  	(v2sf) =	vpush v40, $0xF;
	[tilespmem:v39+s6+$0x0] =	vst.idx.msk vm0, v38  }
0xf5: {  	v5 =	vor.u32 $0x3, v5;
	v3 =	vld [tilespmem:s9+$0x7D00];
	_ =	sdelay $0x4  }
0xf6: {  	[tilespmem:v5+s6+$0x0] =	vst.idx.msk vm0, v3  }
0xf7: {  	v3 =	vld [tilespmem:s10+$0x9C40];
	_ =	sdelay $0x1  }
0xf8: {  	vm8 =	veq.f32 v9, v0  }
0xf9: {  	v41 =	vsel vm8, $0x1, v1  }
0xfa: {  	(xrf0) =	vadd.scan.msk.s32 $0xffff, v41  }
0xfb: {  	[tilespmem:v4+s7+$0x0] =	vst.idx.msk vm0, v3  }
0xfc: {  	v3 =	vld [tilespmem:s9+$0xBB80];
	_ =	sdelay $0x1  }
0xfd: {  	s14 =	spop (v2sf)  }
0xfe: {  	s9 =	sxor.u32 $0x80000000, s14  }
0xff: {  	v5, _, _ =	vpop (xrf0);
	v42 =	vadd.s32 s9, v2  }
0x100: {  	v43 =	vadd.s32 v42, v5;
	v3 =	vtrunc.f32 v3  }
0x101: {  	v6 =	vadd.s32 $0xFFFFFFFF, v43;
	v3 =	vcvt.f32.s32 v3  }
0x102: {  	vm2 =	vlt.s32 v6, $0x3E8  }
0x103: {  	vm9 =	vmand vm8, vm2;
	[tilespmem:v4+s8+$0x0] =	vst.idx.msk vm0, v3  }
0x104: {  	v44 =	vshll.u32 v6, $0x2;
	v4 =	vld [tilespmem:s10+$0x1F50];
	_ =	sdelay $0x4  }
0x105: {  	[tilespmem:v44+s6+$0x0] =	vst.idx.msk vm9, v4  }
0x106: {  	v45 =	vor.u32 $0x1, v44;
	v4 =	vld [tilespmem:s10+$0x3E90];
	_ =	sdelay $0x2  }
0x107: {  	v5 =	vxor.u32 $0x80000000, v5  }
0x108: {  	(xrf0) =	vmax.scan.msk.u32 $0xffff, v5  }
0x109: {  	[tilespmem:v45+s6+$0x0] =	vst.idx.msk vm9, v4  }
0x10a: {  	v46 =	vor.u32 $0x2, v44;
	v4 =	vld [tilespmem:s10+$0x5DD0];
	_ =	sdelay $0x3  }
0x10b: {  	v47, _, _ =	vpop (xrf0)  }
0x10c: {  	(v2sf) =	vpush v47, $0xF;
	[tilespmem:v46+s6+$0x0] =	vst.idx.msk vm9, v4  }
0x10d: {  	v3 =	vor.u32 $0x3, v44;
	v4 =	vld [tilespmem:s10+$0x7D10];
	_ =	sdelay $0x4  }
0x10e: {  	[tilespmem:v3+s6+$0x0] =	vst.idx.msk vm9, v4  }
0x10f: {  	v3 =	vld [tilespmem:s10+$0x9C50];
	_ =	sdelay $0x1  }
0x110: {  	vm10 =	veq.f32 v8, v0  }
0x111: {  	v48 =	vsel vm10, $0x1, v1  }
0x112: {  	(xrf0) =	vadd.scan.msk.s32 $0xffff, v48  }
0x113: {  	[tilespmem:v6+s7+$0x0] =	vst.idx.msk vm9, v3  }
0x114: {  	v3 =	vld [tilespmem:s10+$0xBB90];
	_ =	sdelay $0x1  }
0x115: {  	s15 =	spop (v2sf)  }
0x116: {  	s9 =	sxor.u32 $0x80000000, s15  }
0x117: {  	v2 =	vadd.s32 s9, v42;
	v4, _, _ =	vpop (xrf0)  }
0x118: {  	v49 =	vadd.s32 v2, v4;
	v3 =	vtrunc.f32 v3  }
0x119: {  	v5 =	vadd.s32 $0xFFFFFFFF, v49;
	v3 =	vcvt.f32.s32 v3  }
0x11a: {  	vm11 =	vlt.s32 v5, $0x3E8  }
0x11b: {  	vm12 =	vmand vm10, vm11;
	[tilespmem:v6+s8+$0x0] =	vst.idx.msk vm9, v3  }
0x11c: {  	v50 =	vshll.u32 v5, $0x2;
	v6 =	vld [tilespmem:s10+$0x1F60];
	_ =	sdelay $0x4  }
0x11d: {  	[tilespmem:v50+s6+$0x0] =	vst.idx.msk vm12, v6  }
0x11e: {  	v51 =	vor.u32 $0x1, v50;
	v6 =	vld [tilespmem:s10+$0x3EA0];
	_ =	sdelay $0x2  }
0x11f: {  	v4 =	vxor.u32 $0x80000000, v4  }
0x120: {  	(xrf0) =	vmax.scan.msk.u32 $0xffff, v4  }
0x121: {  	[tilespmem:v51+s6+$0x0] =	vst.idx.msk vm12, v6  }
0x122: {  	v53 =	vor.u32 $0x2, v50;
	v52 =	vld [tilespmem:s10+$0x5DE0];
	_ =	sdelay $0x3  }
0x123: {  	v54, _, _ =	vpop (xrf0)  }
0x124: {  	(v2sf) =	vpush v54, $0xF;
	[tilespmem:v53+s6+$0x0] =	vst.idx.msk vm12, v52  }
0x125: {  	v3 =	vor.u32 $0x3, v50;
	v4 =	vld [tilespmem:s10+$0x7D20];
	_ =	sdelay $0x4  }
0x126: {  	[tilespmem:v3+s6+$0x0] =	vst.idx.msk vm12, v4  }
0x127: {  	v3 =	vld [tilespmem:s10+$0x9C60];
	_ =	sdelay $0x1  }
0x128: {  	vm13 =	veq.f32 v7, v0  }
0x129: {  	v0 =	vsel vm13, $0x1, v1  }
0x12a: {  	(xrf0) =	vadd.scan.msk.s32 $0xffff, v0  }
0x12b: {  	[tilespmem:v5+s7+$0x0] =	vst.idx.msk vm12, v3  }
0x12c: {  	v55 =	vld [tilespmem:s10+$0xBBA0];
	_ =	sdelay $0x1  }
0x12d: {  	s16 =	spop (v2sf)  }
0x12e: {  	s9 =	sxor.u32 $0x80000000, s16  }
0x12f: {  	v57, _, _ =	vpop (xrf0);
	v56 =	vadd.s32 s9, v2  }
0x130: {  	v58 =	vadd.s32 v56, v57;
	v0 =	vtrunc.f32 v55  }
0x131: {  	v3 =	vadd.s32 $0xFFFFFFFF, v58;
	v0 =	vcvt.f32.s32 v0  }
0x132: {  	vm14 =	vlt.s32 v3, $0x3E8  }
0x133: {  	vm15 =	vmand vm13, vm14;
	[tilespmem:v5+s8+$0x0] =	vst.idx.msk vm12, v0  }
0x134: {  	v59 =	vshll.u32 v3, $0x2;
	v4 =	vld [tilespmem:s10+$0x1F70];
	_ =	sdelay $0x4  }
0x135: {  	[tilespmem:v59+s6+$0x0] =	vst.idx.msk vm15, v4  }
0x136: {  	v60 =	vor.u32 $0x1, v59;
	v4 =	vld [tilespmem:s10+$0x3EB0];
	_ =	sdelay $0x4  }
0x137: {  	[tilespmem:v60+s6+$0x0] =	vst.idx.msk vm15, v4  }
0x138: {  	v61 =	vor.u32 $0x2, v59;
	v4 =	vld [tilespmem:s10+$0x5DF0]  }
0x139: {  	v2 =	vxor.u32 $0x80000000, v57  }
0x13a: {  	(xrf0) =	vmax.scan.msk.u32 $0xffff, v2;
	_ =	sdelay $0x2  }
0x13b: {  	[tilespmem:v61+s6+$0x0] =	vst.idx.msk vm15, v4  }
0x13c: {  	v0 =	vor.u32 $0x3, v59;
	v62 =	vld [tilespmem:s10+$0x7D30];
	_ =	sdelay $0x1  }
0x13d: {  	v63, _, _ =	vpop (xrf0)  }
0x13e: {  	(v2sf) =	vpush v63, $0xF;
	_ =	sdelay $0x1  }
0x13f: {  	[tilespmem:v0+s6+$0x0] =	vst.idx.msk vm15, v62  }
0x140: {  	v0 =	vld [tilespmem:s10+$0x9C70];
	_ =	sdelay $0x4  }
0x141: {  	[tilespmem:v3+s7+$0x0] =	vst.idx.msk vm15, v0  }
0x142: {  	v0 =	vld [tilespmem:s10+$0xBBB0];
	_ =	sdelay $0x4  }
0x143: {  	v0 =	vtrunc.f32 v0  }
0x144: {  	s17 =	spop (v2sf);
	v0 =	vcvt.f32.s32 v0  }
0x145: {  	s6 =	sxor.u32 $0x80000000, s17  }
0x146: {  	v1 =	vadd.s32 s6, v56;
	[tilespmem:v3+s8+$0x0] =	vst.idx.msk vm15, v0  }
0x147: {  	[tilespmem:$0xF300] =	vst v1  }
0x148: {  	[tilespmem:$0xF310] =	vst v1  }
0x149: {  	[tilespmem:$0xF320] =	vst v1  }
0x14a: {  	s18 =	sshrl.u32 s1, $0x3;
	s19 =	sshll.u32 s1, $0x7;
	[tilespmem:$0xF330] =	vst v1  }
0x14b: {  	s20 =	sshll.u32 s18, $0xF;
	s7 =	sand.u32 $0x380, s19;
	[tilespmem:$0xF340] =	vst v1  }
0x14c: {  	s21 =	simm.s32 $0x80;
	s8 =	sor.u32 s7, s20;
	[tilespmem:$0xF350] =	vst v1  }
0x14d: {  	s22 =	simm.s32 $0x400;
	s23 =	simm.s32 $0xDB00;
	s8 =	sshrl.u32 s8, $0x3;
	[tilespmem:$0xF360] =	vst v1  }
0x14e: {  	s25 =	simm.s32 $0x2;
	s24 =	sshll.u32 s18, $0xD;
	[tilespmem:$0xF370] =	vst v1;
	s5 =	sadd.s32 s5, s8  }
0x14f: {  	[hbm4b:s5+s21] =	stream.strided.scatter [tilespmem:s23], [sflag:$0x2], $0x1000, s22, s21, $0x38;
	[tilespmem:$0xF380] =	vst v63  }
0x150: {  	s5 =	sor.u32 s7, s24;
	_ =	swait.ge [sflag:s25], $0x1000  }
0x151: {  	s5 =	sshrl.u32 s5, $0x3;
	[sflag:s25] =	ssyncset.done $0x0  }
0x152: {  	s11 =	simm.s32 $0xEB00;
	s4 =	sadd.s32 s4, s5;
	[sflag:s25] =	ssyncadd.s32 $0xFFFFF000  }
0x153: {  	[hbm4b:s4+s21] =	stream.strided.scatter [tilespmem:s11], [sflag:$0x2], $0x400, s22, s21, $0x38;
	[tilespmem:$0xF380] =	vst v63  }
0x154: {  	_ =	swait.ge [sflag:s25], $0x400  }
0x155: {  	s28 =	simm.s32 $0xEF00;
	[sflag:s25] =	ssyncset.done $0x0  }
0x156: {  	s26 =	sshll.u32 s18, $0xA;
	s3 =	sadd.s32 s3, s5;
	[sflag:s25] =	ssyncadd.s32 $0xFFFFFC00  }
0x157: {  	[hbm4b:s3+s21] =	stream.strided.scatter [tilespmem:s28], [sflag:$0x2], $0x400, s22, s21, $0x38;
	[tilespmem:$0xF380] =	vst v63  }
0x158: {  	s4 =	sor.u32 s7, s26;
	_ =	swait.ge [sflag:s25], $0x400  }
0x159: {  	s30 =	simm.s32 $0x0;
	s29 =	sshrl.u32 s4, $0x3;
	[sflag:s25] =	ssyncset.done $0x0  }
0x15a: {  	s31 =	simm.s32 $0xF300;
	s2 =	sadd.s32 s2, s29;
	[sflag:s25] =	ssyncadd.s32 $0xFFFFFC00  }
0x15b: {  	[hbm4b:s2+s30] =	stream.linear.scatter [tilespmem:s31], [sflag:$0x2], $0x80, $0x38;
	[tilespmem:$0xF380] =	vst v63  }
0x15c: {  	_ =	swait.ge [sflag:s25], $0x80  }
0x15d: {  	[sflag:s25] =	ssyncset.done $0x0  }
0x15e: {  	[sflag:s25] =	ssyncadd.s32 $0xFFFFFF80  }
0x15f: {  	_ =	sfence.sel $0x180000  }
0x160: {  	[bflag:$0x0] =	sbarrier.arrive $0xFFFF  }
0x161: {  	p0 =	sne.s32 s1, $0x0;
	_ =	strace $0x90000047  }
0x162: {  	s0 =	sadd.s32 @!p0 $0x100000, s0;
	[bflag:$0x2] =	sbarrier.arrive $0xFFFF  }
0x163: {  	[sflag:s0] =	ssyncadd.tile.s32 @!p0 $0x1;
	_ =	shalt  }
.Lfunc_end2:
_tile_overlayer_lowered:
.L_overlay_start_2:
0x164: {  	(tag) =	ssettag $0x2  }
0x165: {  	s0 =	rddreg [dreg:$0x0];
	s2 =	stileid.u32  }
0x166: {  	s1 =	rddreg [dreg:$0x1];
	p0 =	sne.s32 s2, $0x0  }
0x167: {  	s3 =	rddreg [dreg:$0x2];
	[bflag:$0x3] =	sbarrier.arrive $0xFFFF;
	s2 =	simm.s32 @!p0 $0x1C02  }
0x168: {  	[timem:s3], [sflag:s2] =	dma.local @!p0 [hbm:s0], s1  }
0x169: {  	s0 =	simm.s32 @!p0 $0x2  }
0x16a: {  	_ =	swait.ge @!p0 [sflag:s0], s1  }
0x16b: {  	s1 =	ssub.s32 @!p0 $0x0, s1;
	[sflag:s0] =	ssyncset.done @!p0 $0x0  }
0x16c: {  	[sflag:s0] =	ssyncadd.s32 @!p0 s1  }
0x16d: {  	[bflag:$0x3] =	sbarrier.arrive $0xFFFF  }
0x16e: {  	_ =	shalt  }

</sc_bundles>
